<compile_context>
chip_gen: v7x
topology: tpu7x:2x2x1
jax: 0.10.2.dev20260603
libtpu: 0.0.44.dev20260713+nightly
codegen_flags: <defaults>
</compile_context>

<pallas_src>
import functools
import math

import jax
import jax.numpy as jnp
from jax import lax
from jax.experimental import pallas as pl
from jax.experimental.pallas import tpu as pltpu
from jax.experimental.pallas import tpu_sc as plsc

N = 10000
D = 128
E = 320000
NP = 10240
EP = 327680
EDGE_B = 128
N_TILES = 32
E_PER_TILE = EP // N_TILES
N_BATCH = E_PER_TILE // EDGE_B
ROWS_PER_TILE = NP // 16


NBUF = 2
NB0 = 146
NB1 = (2 * N_BATCH) - NB0


def _sc_conv_body(x_hbm, src_hbm, dst_hbm, out_hbm,
                  sidx0, sidx1, didx0, didx1, rows0, rows1, zbuf,
                  agg_sh, g0, g1, si0, si1, di0, di1):
    c = lax.axis_index("c")
    s = lax.axis_index("s")
    rows = (rows0, rows1)
    sidx = (sidx0, sidx1)
    didx = (didx0, didx1)
    gsems = (g0, g1)
    sisems = (si0, si1)
    disems = (di0, di1)

    nb = jnp.where(c == 0, NB0, NB1)
    eb = jnp.where(c == 0, s * NB0, 16 * NB0 + s * NB1) * EDGE_B

    def fire_idx(b, g):
        base = pl.multiple_of(eb + g * EDGE_B, EDGE_B)
        pltpu.async_copy(src_hbm.at[pl.ds(base, EDGE_B)], sidx[b], sisems[b])
        pltpu.async_copy(dst_hbm.at[pl.ds(base, EDGE_B)], didx[b], disems[b])

    def wait_sidx(b):
        pltpu.make_async_copy(src_hbm.at[pl.ds(0, EDGE_B)], sidx[b],
                              sisems[b]).wait()

    def wait_didx(b):
        pltpu.make_async_copy(dst_hbm.at[pl.ds(0, EDGE_B)], didx[b],
                              disems[b]).wait()

    fire_idx(0, 0)
    fire_idx(1, 1)
    wait_sidx(0)
    pltpu.async_copy(x_hbm.at[sidx0], rows0, g0)

    zrow = 64

    def zloop(i, carry):
        for j in range(D // 16):
            zbuf[i, pl.ds(16 * j, 16)] = jnp.zeros((16,), jnp.float32)
        return carry

    lax.fori_loop(0, zrow, zloop, 0)
    row0 = s * ROWS_PER_TILE
    for t in range(ROWS_PER_TILE // zrow):
        pltpu.sync_copy(zbuf, agg_sh.at[pl.ds(row0 + t * zrow, zrow)])
    plsc.subcore_barrier()

    def outer(o, carry):
        for b in range(NBUF):
            g = o * NBUF + b
            other = 1 - b
            pltpu.make_async_copy(x_hbm.at[sidx[b]], rows[b],
                                  gsems[b]).wait()

            @pl.when(g < nb - 1)
            def _():
                wait_sidx(other)
                pltpu.async_copy(x_hbm.at[sidx[other]], rows[other],
                                 gsems[other])

            wait_didx(b)
            pltpu.sync_copy(rows[b], agg_sh.at[didx[b]], add=True)

            @pl.when(g < nb - 2)
            def _():
                fire_idx(b, g + 2)
        return carry

    lax.fori_loop(0, nb // NBUF, outer, 0)
    plsc.subcore_barrier()
    out0 = c * NP + row0
    pltpu.sync_copy(agg_sh.at[pl.ds(row0, ROWS_PER_TILE)],
                    out_hbm.at[pl.ds(out0, ROWS_PER_TILE)])


@jax.jit
def _sc_conv(x_p, src_p, dst_p):
    mesh = plsc.VectorSubcoreMesh(core_axis_name="c", subcore_axis_name="s")
    return pl.kernel(
        _sc_conv_body,
        out_type=jax.ShapeDtypeStruct((2 * NP, D), jnp.float32),
        mesh=mesh,
        scratch_types=[
            pltpu.VMEM((EDGE_B,), jnp.int32),
            pltpu.VMEM((EDGE_B,), jnp.int32),
            pltpu.VMEM((EDGE_B,), jnp.int32),
            pltpu.VMEM((EDGE_B,), jnp.int32),
            pltpu.VMEM((EDGE_B, D), jnp.float32),
            pltpu.VMEM((EDGE_B, D), jnp.float32),
            pltpu.VMEM((64, D), jnp.float32),
            pltpu.VMEM_SHARED((NP, D), jnp.float32),
            pltpu.SemaphoreType.DMA,
            pltpu.SemaphoreType.DMA,
            pltpu.SemaphoreType.DMA,
            pltpu.SemaphoreType.DMA,
            pltpu.SemaphoreType.DMA,
            pltpu.SemaphoreType.DMA,
        ],
    )(x_p, src_p, dst_p)


def _tc_dense_body(agg_ref, x_ref, wrel_ref, brel_ref, wroot_ref, pwc_ref,
                   xn_ref, v_ref):
    agg = agg_ref[0:NP, :] + agg_ref[NP:2 * NP, :]
    xn = jnp.maximum(
        jnp.dot(agg, wrel_ref[...], preferred_element_type=jnp.float32)
        + brel_ref[...]
        + jnp.dot(x_ref[...], wroot_ref[...], preferred_element_type=jnp.float32),
        0.0)
    pwc = pwc_ref[...]
    nrm = jnp.sqrt(jnp.sum(pwc * pwc))
    s_col = jnp.dot(xn, pwc, preferred_element_type=jnp.float32)
    xn_ref[...] = xn
    v_ref[...] = jnp.tanh(s_col / nrm)


@jax.jit
def _tc_dense(agg, x, wrel, brel, wroot, pwc):
    f32 = jnp.float32
    return pl.pallas_call(
        _tc_dense_body,
        out_shape=[
            jax.ShapeDtypeStruct((NP, D), f32),
            jax.ShapeDtypeStruct((NP, 1), f32),
        ],
    )(agg, x, wrel, brel, wroot, pwc)


def _ukey(v):
    bits = lax.bitcast_convert_type(v, jnp.int32)
    return lax.bitcast_convert_type(
        bits ^ ((bits >> 31) | jnp.int32(-2147483648)), jnp.uint32)


def _search_value_theta(tie, ukey, r):
    def step(j, th):
        cand = th | (jnp.uint32(0x80000000) >> j.astype(jnp.uint32))
        cnt = jnp.sum(jnp.where(tie & (ukey >= cand), 1, 0))
        return jnp.where(cnt >= r, cand, th)
    return lax.fori_loop(0, 32, step, jnp.uint32(0))


def _search_index_tmax(tie, idx, r):
    def step(j, th):
        cand = th | (jnp.int32(1 << 14) >> j)
        cnt = jnp.sum(jnp.where(tie & (idx <= cand), 1, 0))
        return jnp.where(cnt <= r, cand, th)
    return lax.fori_loop(0, 15, step, jnp.int32(0))


def _make_select_body(nhist, k):
    def body(*refs):
        (xn_ref, vr_ref, vc_ref, ar_ref, ac_ref) = refs[:5]
        vh_r = [refs[5 + j] for j in range(nhist)]
        vh_c = [refs[5 + nhist + j] for j in range(nhist)]
        (xs_ref, sel_c_ref, pooled_ref) = refs[5 + 2 * nhist:]

        alive_r = ar_ref[...] > 0.0
        alive_c = ac_ref[...] > 0.0

        row_keys = [jnp.where(alive_r, _ukey(vr_ref[...]), jnp.uint32(0))]
        for vr in vh_r:
            row_keys.append(jnp.where(alive_r, _ukey(vr[...]), jnp.uint32(0)))
        idx_row = lax.broadcasted_iota(jnp.int32, (1, NP), 1)

        tie = alive_r
        r = jnp.int32(k)
        thetas = []
        for u in row_keys:
            th = _search_value_theta(tie, u, r)
            above = tie & (u > th)
            r = r - jnp.sum(jnp.where(above, 1, 0))
            tie = tie & (u == th)
            thetas.append(th)
        tmax = _search_index_tmax(tie, idx_row, r)

        col_keys = [jnp.where(alive_c, _ukey(vc_ref[...]), jnp.uint32(0))]
        for vc in vh_c:
            col_keys.append(jnp.where(alive_c, _ukey(vc[...]), jnp.uint32(0)))
        idx_col = lax.broadcasted_iota(jnp.int32, (NP, 1), 0)
        sel_c = idx_col <= tmax
        for u, th in zip(reversed(col_keys), reversed(thetas)):
            sel_c = (u > th) | ((u == th) & sel_c)
        sel_c = alive_c & sel_c

        xs = xn_ref[...] * jnp.where(sel_c, vc_ref[...], 0.0)
        xs_ref[...] = xs
        sel_c_ref[...] = jnp.where(sel_c, 1.0, 0.0)
        pmax = jnp.max(jnp.where(sel_c, xs, -jnp.inf), axis=0, keepdims=True)
        psum = jnp.sum(xs, axis=0, keepdims=True) * (1.0 / k)
        pooled_ref[...] = jnp.concatenate([pmax, psum], axis=1)

    return body


@functools.partial(jax.jit, static_argnames=("nhist", "k"))
def _tc_select(xn, v_r, v_c, alive_r, alive_c, vh_r, vh_c, *, nhist, k):
    f32 = jnp.float32
    out_shape = [
        jax.ShapeDtypeStruct((NP, D), f32),
        jax.ShapeDtypeStruct((NP, 1), f32),
        jax.ShapeDtypeStruct((1, 2 * D), f32),
    ]
    return pl.pallas_call(
        _make_select_body(nhist, k),
        out_shape=out_shape,
    )(xn, v_r, v_c, alive_r, alive_c, *vh_r, *vh_c)


def _head_body(p1, p2, p3, w1, b1, w2, b2, w3, b3,
               logits_ref, probs_ref, yhat_ref):
    xh = p1[...] + p2[...] + p3[...]
    h = jnp.maximum(jnp.dot(xh, w1[...], preferred_element_type=jnp.float32)
                    + b1[...], 0.0)
    h = jnp.maximum(jnp.dot(h, w2[...], preferred_element_type=jnp.float32)
                    + b2[...], 0.0)
    logits = jnp.dot(h, w3[...], preferred_element_type=jnp.float32) + b3[...]
    logits_ref[...] = logits
    mx = jnp.max(logits, axis=1, keepdims=True)
    ex = jnp.exp(logits - mx)
    probs_ref[...] = ex / jnp.sum(ex, axis=1, keepdims=True)
    iv = lax.broadcasted_iota(jnp.int32, (1, 2), 1)
    yhat_ref[...] = jnp.min(jnp.where(logits == mx, iv, jnp.int32(2)),
                            axis=1, keepdims=True)


@jax.jit
def _head(p1, p2, p3, w1, b1, w2, b2, w3, b3):
    f32 = jnp.float32
    return pl.pallas_call(
        _head_body,
        out_shape=[
            jax.ShapeDtypeStruct((1, 2), f32),
            jax.ShapeDtypeStruct((1, 2), f32),
            jax.ShapeDtypeStruct((1, 1), jnp.int32),
        ],
    )(p1, p2, p3, w1, b1, w2, b2, w3, b3)


def kernel(x, adj, Wrel1, brel1, Wroot1, pw1, Wrel2, brel2, Wroot2, pw2,
           Wrel3, brel3, Wroot3, pw3, W1, b1, W2, b2, W3, b3):
    f32 = jnp.float32
    x_p = jnp.zeros((NP, D), f32).at[:N].set(x)
    pad = jnp.full((EP - E,), NP - 1, jnp.int32)
    src_p = jnp.concatenate([adj[0].astype(jnp.int32), pad])
    dst_p = jnp.concatenate([adj[1].astype(jnp.int32), pad])
    alive_c = (jnp.arange(NP, dtype=jnp.int32)[:, None] < N).astype(f32)

    layers = [
        (Wrel1, brel1, Wroot1, pw1, 8000),
        (Wrel2, brel2, Wroot2, pw2, 6400),
        (Wrel3, brel3, Wroot3, pw3, 5120),
    ]
    vh_c = []
    pooled = []
    for i, (wrel, brel, wroot, pw, k) in enumerate(layers):
        agg = _sc_conv(x_p, src_p, dst_p)
        xn, v_c = _tc_dense(agg, x_p, wrel, brel[None, :], wroot, pw[:, None])
        v_r = jnp.reshape(v_c, (1, NP))
        alive_r = jnp.reshape(alive_c, (1, NP))
        vh_r = tuple(jnp.reshape(v, (1, NP)) for v in vh_c)
        x_p, alive_c, pld = _tc_select(xn, v_r, v_c, alive_r, alive_c,
                                       vh_r, tuple(vh_c), nhist=i, k=k)
        vh_c.insert(0, v_c)
        pooled.append(pld)

    logits, probs, yhat = _head(pooled[0], pooled[1], pooled[2],
                                W1, b1[None, :], W2, b2[None, :],
                                W3, b3[None, :])
    return (logits, probs, yhat)

# --- scband reference (transcript-rebuilt; emitter-appended) ---
"""Pipeline reference for scband-graph-model-28398323761303 (READ-ONLY COPY).

The authoritative reference and input builder live on the scoring server;
editing this copy changes nothing except your own understanding.
"""

import jax, jax.numpy as jnp
import numpy as np
import math


def _graph_conv(x, src, dst, ev, Wrel, brel, Wroot):
    # PyG GraphConv: out = lin_rel(sum_{j in N(i)} x_j) + lin_root(x_i)
    msg = x[src] * ev[:, None]  # ev masks edges removed by earlier pooling
    agg = jax.ops.segment_sum(msg, dst, num_segments=x.shape[0])
    return agg @ Wrel + brel + x @ Wroot


def _topk_pool(x, ei, ev, w, ratio=0.8):
    # PyG TopKPooling: score = tanh((x . w) / ||w||); keep top ceil(ratio*N) nodes;
    # x = x[perm] * score[perm]; filter adjacency to retained nodes (here via edge-valid mask ev)
    N = x.shape[0]
    score = jnp.tanh((x @ w) / jnp.linalg.norm(w))
    k = int(math.ceil(ratio * N))
    vals, perm = jax.lax.top_k(score, k)
    xp = x[perm] * vals[:, None]
    mask = jnp.full((N,), -1, dtype=jnp.int32).at[perm].set(jnp.arange(k, dtype=jnp.int32))
    r = mask[ei[0]]
    c = mask[ei[1]]
    ev = ev * ((r >= 0) & (c >= 0)).astype(jnp.float32)
    ei = jnp.stack([jnp.maximum(r, 0), jnp.maximum(c, 0)])
    return xp, ei, ev


def _forward(x, adj, params):
    ei = adj.astype(jnp.int32)
    ev = jnp.ones((ei.shape[1],), jnp.float32)
    xhidden = None
    for i in (1, 2, 3):
        Wrel = params['Wrel%d' % i]
        brel = params['brel%d' % i]
        Wroot = params['Wroot%d' % i]
        pw = params['pw%d' % i]
        x = jax.nn.relu(_graph_conv(x, ei[0], ei[1], ev, Wrel, brel, Wroot))
        x, ei, ev = _topk_pool(x, ei, ev, pw, 0.8)
        # batch is all-zeros (single graph): gmp/gap reduce over all nodes -> [1, 128] each
        pooled = jnp.concatenate([jnp.max(x, axis=0, keepdims=True), jnp.mean(x, axis=0, keepdims=True)], axis=1)
        xhidden = pooled if xhidden is None else xhidden + pooled
    # dropout with training=False is identity
    h = jax.nn.relu(xhidden @ params['W1'] + params['b1'])
    h = jax.nn.relu(h @ params['W2'] + params['b2'])
    logits = h @ params['W3'] + params['b3']
    return logits


def setup_inputs(seed: int = 0) -> dict:
    key = jax.random.key(seed)
    N, E, D = 10000, 320000, 128
    ks = iter(jax.random.split(key, 32))
    inp = {}
    inp['x'] = jax.random.normal(next(ks), (N, D), dtype=jnp.float32)
    inp['adj'] = jax.random.randint(next(ks), (2, E), 0, N, dtype=jnp.int32)

    def lin(k, fi, fo):
        return jax.random.normal(k, (fi, fo), dtype=jnp.float32) / np.sqrt(fi)

    for i in (1, 2, 3):
        inp['Wrel%d' % i] = lin(next(ks), 128, 128)
        inp['brel%d' % i] = jnp.zeros((128,), jnp.float32)
        inp['Wroot%d' % i] = lin(next(ks), 128, 128)
        inp['pw%d' % i] = jax.random.normal(next(ks), (128,), dtype=jnp.float32) / np.sqrt(128)
    inp['W1'] = lin(next(ks), 256, 128)
    inp['b1'] = jnp.zeros((128,), jnp.float32)
    inp['W2'] = lin(next(ks), 128, 64)
    inp['b2'] = jnp.zeros((64,), jnp.float32)
    inp['W3'] = lin(next(ks), 64, 2)
    inp['b3'] = jnp.zeros((2,), jnp.float32)
    return inp


def reference(x, adj, Wrel1, brel1, Wroot1, pw1, Wrel2, brel2, Wroot2, pw2,
              Wrel3, brel3, Wroot3, pw3, W1, b1, W2, b2, W3, b3):
    params = {
        'Wrel1': Wrel1, 'brel1': brel1, 'Wroot1': Wroot1, 'pw1': pw1,
        'Wrel2': Wrel2, 'brel2': brel2, 'Wroot2': Wroot2, 'pw2': pw2,
        'Wrel3': Wrel3, 'brel3': brel3, 'Wroot3': Wroot3, 'pw3': pw3,
        'W1': W1, 'b1': b1, 'W2': W2, 'b2': b2, 'W3': W3, 'b3': b3,
    }
    logits = _forward(x, adj, params)
    Y_prob = jax.nn.softmax(logits, axis=1)
    Y_hat = jnp.argmax(logits, axis=1)[:, None]  # torch.topk(logits, 1, dim=1)[1]
    return (logits, Y_prob, Y_hat)

if __name__ == "__main__":
    import jax
    _d = setup_inputs()
    print(jax.jit(kernel)(*tuple(_d.values())))

</pallas_src>

<mosaic_0001>
#map = affine_map<(d0, d1) -> (0, 0)>
#map1 = affine_map<(d0, d1) -> (0)>
module attributes {stable_mosaic.version = 14 : i64} {
  func.func @_sc_conv_body(%arg0: i32, %arg1: i32, %arg2: memref<10240x128xf32, #tpu.memory_space<hbm>>, %arg3: memref<327680xi32, #tpu.memory_space<hbm>>, %arg4: memref<327680xi32, #tpu.memory_space<hbm>>, %arg5: memref<20480x128xf32, #tpu.memory_space<hbm>>, %arg6: memref<128xi32, #tpu.memory_space<vmem>>, %arg7: memref<128xi32, #tpu.memory_space<vmem>>, %arg8: memref<128xi32, #tpu.memory_space<vmem>>, %arg9: memref<128xi32, #tpu.memory_space<vmem>>, %arg10: memref<128x128xf32, #tpu.memory_space<vmem>>, %arg11: memref<128x128xf32, #tpu.memory_space<vmem>>, %arg12: memref<64x128xf32, #tpu.memory_space<vmem>>, %arg13: memref<10240x128xf32, #tpu.memory_space<vmem_shared>>, %arg14: memref<!tpu.dma_semaphore, #tpu.memory_space<semaphore_mem>>, %arg15: memref<!tpu.dma_semaphore, #tpu.memory_space<semaphore_mem>>, %arg16: memref<!tpu.dma_semaphore, #tpu.memory_space<semaphore_mem>>, %arg17: memref<!tpu.dma_semaphore, #tpu.memory_space<semaphore_mem>>, %arg18: memref<!tpu.dma_semaphore, #tpu.memory_space<semaphore_mem>>, %arg19: memref<!tpu.dma_semaphore, #tpu.memory_space<semaphore_mem>>) attributes {dimension_semantics = [#tpu.dimension_semantics<core_parallel>, #tpu.dimension_semantics<subcore_parallel>], iteration_bounds = array<i64: 2, 16>, scalar_prefetch = 0 : i64, scratch_operands = 14 : i64, tpu.core_type = #tpu.core_type<sc_vector_subcore>, window_params = [{transform_indices = #map}, {transform_indices = #map1}, {transform_indices = #map1}, {transform_indices = #map}]} {
    %eq3A = arith.constant 0 : i32
    %eq3A_0 = arith.cmpi eq, %arg0, %eq3A : i32
    %jit3A = arith.constant 146 : i32
    %jit3A_1 = arith.constant 14 : i32
    %select_n3A = arith.select %eq3A_0, %jit3A, %jit3A_1 : i32
    %eq3A_2 = arith.constant 0 : i32
    %eq3A_3 = arith.cmpi eq, %arg0, %eq3A_2 : i32
    %mul3A = arith.constant 146 : i32
    %mul3A_4 = arith.muli %arg1, %mul3A : i32
    %mul3A_5 = arith.constant 14 : i32
    %mul3A_6 = arith.muli %arg1, %mul3A_5 : i32
    %add3A = arith.constant 2336 : i32
    %add3A_7 = arith.addi %add3A, %mul3A_6 : i32
    %select_n3A_8 = arith.select %eq3A_3, %mul3A_4, %add3A_7 : i32
    %mul3A_9 = arith.constant 128 : i32
    %mul3A_10 = arith.muli %select_n3A_8, %mul3A_9 : i32
    %add3A_11 = arith.constant 0 : i32
    %add3A_12 = arith.addi %mul3A_10, %add3A_11 : i32
    %multiple_of3A = tpu.assume_multiple %add3A_12, 128 : i32
    %dma_start3A = tpu.memref_slice %arg3[%multiple_of3A] : memref<327680xi32, #tpu.memory_space<hbm>> -> memref<128xi32, #tpu.memory_space<hbm>>
    %dma_start3A_13 = tpu.memref_slice %arg3[%multiple_of3A] : memref<327680xi32, #tpu.memory_space<hbm>> -> memref<128xi32, #tpu.memory_space<hbm>>
    tpu.enqueue_dma source(%dma_start3A_13 : memref<128xi32, #tpu.memory_space<hbm>>) target(%arg6 : memref<128xi32, #tpu.memory_space<vmem>>) target_semaphore(%arg16 : memref<!tpu.dma_semaphore, #tpu.memory_space<semaphore_mem>>)
    %dma_start3A_14 = tpu.memref_slice %arg4[%multiple_of3A] : memref<327680xi32, #tpu.memory_space<hbm>> -> memref<128xi32, #tpu.memory_space<hbm>>
    %dma_start3A_15 = tpu.memref_slice %arg4[%multiple_of3A] : memref<327680xi32, #tpu.memory_space<hbm>> -> memref<128xi32, #tpu.memory_space<hbm>>
    tpu.enqueue_dma source(%dma_start3A_15 : memref<128xi32, #tpu.memory_space<hbm>>) target(%arg8 : memref<128xi32, #tpu.memory_space<vmem>>) target_semaphore(%arg18 : memref<!tpu.dma_semaphore, #tpu.memory_space<semaphore_mem>>)
    %add3A_16 = arith.constant 128 : i32
    %add3A_17 = arith.addi %mul3A_10, %add3A_16 : i32
    %multiple_of3A_18 = tpu.assume_multiple %add3A_17, 128 : i32
    %dma_start3A_19 = tpu.memref_slice %arg3[%multiple_of3A_18] : memref<327680xi32, #tpu.memory_space<hbm>> -> memref<128xi32, #tpu.memory_space<hbm>>
    %dma_start3A_20 = tpu.memref_slice %arg3[%multiple_of3A_18] : memref<327680xi32, #tpu.memory_space<hbm>> -> memref<128xi32, #tpu.memory_space<hbm>>
    tpu.enqueue_dma source(%dma_start3A_20 : memref<128xi32, #tpu.memory_space<hbm>>) target(%arg7 : memref<128xi32, #tpu.memory_space<vmem>>) target_semaphore(%arg17 : memref<!tpu.dma_semaphore, #tpu.memory_space<semaphore_mem>>)
    %dma_start3A_21 = tpu.memref_slice %arg4[%multiple_of3A_18] : memref<327680xi32, #tpu.memory_space<hbm>> -> memref<128xi32, #tpu.memory_space<hbm>>
    %dma_start3A_22 = tpu.memref_slice %arg4[%multiple_of3A_18] : memref<327680xi32, #tpu.memory_space<hbm>> -> memref<128xi32, #tpu.memory_space<hbm>>
    tpu.enqueue_dma source(%dma_start3A_22 : memref<128xi32, #tpu.memory_space<hbm>>) target(%arg9 : memref<128xi32, #tpu.memory_space<vmem>>) target_semaphore(%arg19 : memref<!tpu.dma_semaphore, #tpu.memory_space<semaphore_mem>>)
    %dma_wait3A = arith.constant 0 : i32
    %dma_wait3A_23 = tpu.memref_slice %arg3[%dma_wait3A] : memref<327680xi32, #tpu.memory_space<hbm>> -> memref<128xi32, #tpu.memory_space<hbm>>
    %dma_wait3A_24 = arith.constant 0 : i32
    %dma_wait3A_25 = tpu.memref_slice %arg3[%dma_wait3A_24] : memref<327680xi32, #tpu.memory_space<hbm>> -> memref<128xi32, #tpu.memory_space<hbm>>
    tpu.wait_dma2 semaphore(%arg16 : memref<!tpu.dma_semaphore, #tpu.memory_space<semaphore_mem>>) src(%dma_wait3A_25 : memref<128xi32, #tpu.memory_space<hbm>>) dst(%arg6 : memref<128xi32, #tpu.memory_space<vmem>>)
    %dma_start3A_26 = arith.constant 0 : i32
    %dma_start3A_27 = arith.constant 0 : i32
    %dma_start3A_28 = tpu.memref_slice %arg2[%dma_start3A_26, %dma_start3A_27] : memref<10240x128xf32, #tpu.memory_space<hbm>> -> memref<10240x128xf32, #tpu.memory_space<hbm>>
    tpu.enqueue_indirect_dma source(%dma_start3A_28 : memref<10240x128xf32, #tpu.memory_space<hbm>>) target(%arg10 : memref<128x128xf32, #tpu.memory_space<vmem>>) offsets(%arg6 : memref<128xi32, #tpu.memory_space<vmem>>) semaphore(%arg14 : memref<!tpu.dma_semaphore, #tpu.memory_space<semaphore_mem>>)
    %scan3A = arith.constant 0 : i32
    %scan3A_29 = arith.constant 0 : i32
    %scan3A_30 = arith.constant 64 : i32
    %scan3A_31 = arith.addi %scan3A_29, %scan3A_30 : i32
    %scan3A_32 = arith.constant 1 : i32
    scf.for %scan3A_87 = %scan3A_29 to %scan3A_31 step %scan3A_32  : i32 {
      %broadcast_in_dim3A = arith.constant 0.000000e+00 : f32
      %broadcast_in_dim3A_88 = vector.broadcast %broadcast_in_dim3A : f32 to vector<16xf32>
      %swap3A = arith.index_cast %scan3A_87 : i32 to index
      %swap3A_89 = arith.constant 0 : index
      %swap3A_90 = tpu.vector_load %arg12[%swap3A, %swap3A_89] {strides = array<i32>} : memref<64x128xf32, #tpu.memory_space<vmem>>, vector<1x16xf32>,
      %swap3A_91 = vector.shape_cast %swap3A_90 : vector<1x16xf32> to vector<16xf32>
      %swap3A_92 = vector.shape_cast %broadcast_in_dim3A_88 : vector<16xf32> to vector<1x16xf32>
      tpu.vector_store %arg12[%swap3A, %swap3A_89], %swap3A_92 {strides = array<i32>} : memref<64x128xf32, #tpu.memory_space<vmem>>, vector<1x16xf32>,
      %broadcast_in_dim3A_93 = arith.constant 0.000000e+00 : f32
      %broadcast_in_dim3A_94 = vector.broadcast %broadcast_in_dim3A_93 : f32 to vector<16xf32>
      %swap3A_95 = arith.index_cast %scan3A_87 : i32 to index
      %swap3A_96 = arith.constant 16 : index
      %swap3A_97 = tpu.vector_load %arg12[%swap3A_95, %swap3A_96] {strides = array<i32>} : memref<64x128xf32, #tpu.memory_space<vmem>>, vector<1x16xf32>,
      %swap3A_98 = vector.shape_cast %swap3A_97 : vector<1x16xf32> to vector<16xf32>
      %swap3A_99 = vector.shape_cast %broadcast_in_dim3A_94 : vector<16xf32> to vector<1x16xf32>
      tpu.vector_store %arg12[%swap3A_95, %swap3A_96], %swap3A_99 {strides = array<i32>} : memref<64x128xf32, #tpu.memory_space<vmem>>, vector<1x16xf32>,
      %broadcast_in_dim3A_100 = arith.constant 0.000000e+00 : f32
      %broadcast_in_dim3A_101 = vector.broadcast %broadcast_in_dim3A_100 : f32 to vector<16xf32>
      %swap3A_102 = arith.index_cast %scan3A_87 : i32 to index
      %swap3A_103 = arith.constant 32 : index
      %swap3A_104 = tpu.vector_load %arg12[%swap3A_102, %swap3A_103] {strides = array<i32>} : memref<64x128xf32, #tpu.memory_space<vmem>>, vector<1x16xf32>,
      %swap3A_105 = vector.shape_cast %swap3A_104 : vector<1x16xf32> to vector<16xf32>
      %swap3A_106 = vector.shape_cast %broadcast_in_dim3A_101 : vector<16xf32> to vector<1x16xf32>
      tpu.vector_store %arg12[%swap3A_102, %swap3A_103], %swap3A_106 {strides = array<i32>} : memref<64x128xf32, #tpu.memory_space<vmem>>, vector<1x16xf32>,
      %broadcast_in_dim3A_107 = arith.constant 0.000000e+00 : f32
      %broadcast_in_dim3A_108 = vector.broadcast %broadcast_in_dim3A_107 : f32 to vector<16xf32>
      %swap3A_109 = arith.index_cast %scan3A_87 : i32 to index
      %swap3A_110 = arith.constant 48 : index
      %swap3A_111 = tpu.vector_load %arg12[%swap3A_109, %swap3A_110] {strides = array<i32>} : memref<64x128xf32, #tpu.memory_space<vmem>>, vector<1x16xf32>,
      %swap3A_112 = vector.shape_cast %swap3A_111 : vector<1x16xf32> to vector<16xf32>
      %swap3A_113 = vector.shape_cast %broadcast_in_dim3A_108 : vector<16xf32> to vector<1x16xf32>
      tpu.vector_store %arg12[%swap3A_109, %swap3A_110], %swap3A_113 {strides = array<i32>} : memref<64x128xf32, #tpu.memory_space<vmem>>, vector<1x16xf32>,
      %broadcast_in_dim3A_114 = arith.constant 0.000000e+00 : f32
      %broadcast_in_dim3A_115 = vector.broadcast %broadcast_in_dim3A_114 : f32 to vector<16xf32>
      %swap3A_116 = arith.index_cast %scan3A_87 : i32 to index
      %swap3A_117 = arith.constant 64 : index
      %swap3A_118 = tpu.vector_load %arg12[%swap3A_116, %swap3A_117] {strides = array<i32>} : memref<64x128xf32, #tpu.memory_space<vmem>>, vector<1x16xf32>,
      %swap3A_119 = vector.shape_cast %swap3A_118 : vector<1x16xf32> to vector<16xf32>
      %swap3A_120 = vector.shape_cast %broadcast_in_dim3A_115 : vector<16xf32> to vector<1x16xf32>
      tpu.vector_store %arg12[%swap3A_116, %swap3A_117], %swap3A_120 {strides = array<i32>} : memref<64x128xf32, #tpu.memory_space<vmem>>, vector<1x16xf32>,
      %broadcast_in_dim3A_121 = arith.constant 0.000000e+00 : f32
      %broadcast_in_dim3A_122 = vector.broadcast %broadcast_in_dim3A_121 : f32 to vector<16xf32>
      %swap3A_123 = arith.index_cast %scan3A_87 : i32 to index
      %swap3A_124 = arith.constant 80 : index
      %swap3A_125 = tpu.vector_load %arg12[%swap3A_123, %swap3A_124] {strides = array<i32>} : memref<64x128xf32, #tpu.memory_space<vmem>>, vector<1x16xf32>,
      %swap3A_126 = vector.shape_cast %swap3A_125 : vector<1x16xf32> to vector<16xf32>
      %swap3A_127 = vector.shape_cast %broadcast_in_dim3A_122 : vector<16xf32> to vector<1x16xf32>
      tpu.vector_store %arg12[%swap3A_123, %swap3A_124], %swap3A_127 {strides = array<i32>} : memref<64x128xf32, #tpu.memory_space<vmem>>, vector<1x16xf32>,
      %broadcast_in_dim3A_128 = arith.constant 0.000000e+00 : f32
      %broadcast_in_dim3A_129 = vector.broadcast %broadcast_in_dim3A_128 : f32 to vector<16xf32>
      %swap3A_130 = arith.index_cast %scan3A_87 : i32 to index
      %swap3A_131 = arith.constant 96 : index
      %swap3A_132 = tpu.vector_load %arg12[%swap3A_130, %swap3A_131] {strides = array<i32>} : memref<64x128xf32, #tpu.memory_space<vmem>>, vector<1x16xf32>,
      %swap3A_133 = vector.shape_cast %swap3A_132 : vector<1x16xf32> to vector<16xf32>
      %swap3A_134 = vector.shape_cast %broadcast_in_dim3A_129 : vector<16xf32> to vector<1x16xf32>
      tpu.vector_store %arg12[%swap3A_130, %swap3A_131], %swap3A_134 {strides = array<i32>} : memref<64x128xf32, #tpu.memory_space<vmem>>, vector<1x16xf32>,
      %broadcast_in_dim3A_135 = arith.constant 0.000000e+00 : f32
      %broadcast_in_dim3A_136 = vector.broadcast %broadcast_in_dim3A_135 : f32 to vector<16xf32>
      %swap3A_137 = arith.index_cast %scan3A_87 : i32 to index
      %swap3A_138 = arith.constant 112 : index
      %swap3A_139 = tpu.vector_load %arg12[%swap3A_137, %swap3A_138] {strides = array<i32>} : memref<64x128xf32, #tpu.memory_space<vmem>>, vector<1x16xf32>,
      %swap3A_140 = vector.shape_cast %swap3A_139 : vector<1x16xf32> to vector<16xf32>
      %swap3A_141 = vector.shape_cast %broadcast_in_dim3A_136 : vector<16xf32> to vector<1x16xf32>
      tpu.vector_store %arg12[%swap3A_137, %swap3A_138], %swap3A_141 {strides = array<i32>} : memref<64x128xf32, #tpu.memory_space<vmem>>, vector<1x16xf32>,
    }
    %scan3A_33 = arith.constant 64 : i32
    %mul3A_34 = arith.constant 640 : i32
    %mul3A_35 = arith.muli %arg1, %mul3A_34 : i32
    %add3A_36 = arith.constant 0 : i32
    %add3A_37 = arith.addi %mul3A_35, %add3A_36 : i32
    "tpu.region"() ({
      %run_scoped3A = tpu.sem_alloc : memref<!tpu.dma_semaphore, #tpu.memory_space<semaphore_mem>>
      %dma_start3A_87 = arith.constant 0 : i32
      %dma_start3A_88 = tpu.memref_slice %arg13[%add3A_37, %dma_start3A_87] : memref<10240x128xf32, #tpu.memory_space<vmem_shared>> -> memref<64x128xf32, #tpu.memory_space<vmem_shared>>
      %dma_start3A_89 = arith.constant 0 : i32
      %dma_start3A_90 = tpu.memref_slice %arg13[%add3A_37, %dma_start3A_89] : memref<10240x128xf32, #tpu.memory_space<vmem_shared>> -> memref<64x128xf32, #tpu.memory_space<vmem_shared>>
      tpu.enqueue_dma source(%arg12 : memref<64x128xf32, #tpu.memory_space<vmem>>) target(%dma_start3A_90 : memref<64x128xf32, #tpu.memory_space<vmem_shared>>) target_semaphore(%run_scoped3A : memref<!tpu.dma_semaphore, #tpu.memory_space<semaphore_mem>>)
      %dma_wait3A_91 = arith.constant 0 : i32
      %dma_wait3A_92 = tpu.memref_slice %arg13[%add3A_37, %dma_wait3A_91] : memref<10240x128xf32, #tpu.memory_space<vmem_shared>> -> memref<64x128xf32, #tpu.memory_space<vmem_shared>>
      %dma_wait3A_93 = arith.constant 0 : i32
      %dma_wait3A_94 = tpu.memref_slice %arg13[%add3A_37, %dma_wait3A_93] : memref<10240x128xf32, #tpu.memory_space<vmem_shared>> -> memref<64x128xf32, #tpu.memory_space<vmem_shared>>
      tpu.wait_dma2 semaphore(%run_scoped3A : memref<!tpu.dma_semaphore, #tpu.memory_space<semaphore_mem>>) src(%arg12 : memref<64x128xf32, #tpu.memory_space<vmem>>) dst(%dma_wait3A_94 : memref<64x128xf32, #tpu.memory_space<vmem_shared>>)
      tpu.yield
    }) : () -> ()
    %add3A_38 = arith.constant 64 : i32
    %add3A_39 = arith.addi %mul3A_35, %add3A_38 : i32
    "tpu.region"() ({
      %run_scoped3A = tpu.sem_alloc : memref<!tpu.dma_semaphore, #tpu.memory_space<semaphore_mem>>
      %dma_start3A_87 = arith.constant 0 : i32
      %dma_start3A_88 = tpu.memref_slice %arg13[%add3A_39, %dma_start3A_87] : memref<10240x128xf32, #tpu.memory_space<vmem_shared>> -> memref<64x128xf32, #tpu.memory_space<vmem_shared>>
      %dma_start3A_89 = arith.constant 0 : i32
      %dma_start3A_90 = tpu.memref_slice %arg13[%add3A_39, %dma_start3A_89] : memref<10240x128xf32, #tpu.memory_space<vmem_shared>> -> memref<64x128xf32, #tpu.memory_space<vmem_shared>>
      tpu.enqueue_dma source(%arg12 : memref<64x128xf32, #tpu.memory_space<vmem>>) target(%dma_start3A_90 : memref<64x128xf32, #tpu.memory_space<vmem_shared>>) target_semaphore(%run_scoped3A : memref<!tpu.dma_semaphore, #tpu.memory_space<semaphore_mem>>)
      %dma_wait3A_91 = arith.constant 0 : i32
      %dma_wait3A_92 = tpu.memref_slice %arg13[%add3A_39, %dma_wait3A_91] : memref<10240x128xf32, #tpu.memory_space<vmem_shared>> -> memref<64x128xf32, #tpu.memory_space<vmem_shared>>
      %dma_wait3A_93 = arith.constant 0 : i32
      %dma_wait3A_94 = tpu.memref_slice %arg13[%add3A_39, %dma_wait3A_93] : memref<10240x128xf32, #tpu.memory_space<vmem_shared>> -> memref<64x128xf32, #tpu.memory_space<vmem_shared>>
      tpu.wait_dma2 semaphore(%run_scoped3A : memref<!tpu.dma_semaphore, #tpu.memory_space<semaphore_mem>>) src(%arg12 : memref<64x128xf32, #tpu.memory_space<vmem>>) dst(%dma_wait3A_94 : memref<64x128xf32, #tpu.memory_space<vmem_shared>>)
      tpu.yield
    }) : () -> ()
    %add3A_40 = arith.constant 128 : i32
    %add3A_41 = arith.addi %mul3A_35, %add3A_40 : i32
    "tpu.region"() ({
      %run_scoped3A = tpu.sem_alloc : memref<!tpu.dma_semaphore, #tpu.memory_space<semaphore_mem>>
      %dma_start3A_87 = arith.constant 0 : i32
      %dma_start3A_88 = tpu.memref_slice %arg13[%add3A_41, %dma_start3A_87] : memref<10240x128xf32, #tpu.memory_space<vmem_shared>> -> memref<64x128xf32, #tpu.memory_space<vmem_shared>>
      %dma_start3A_89 = arith.constant 0 : i32
      %dma_start3A_90 = tpu.memref_slice %arg13[%add3A_41, %dma_start3A_89] : memref<10240x128xf32, #tpu.memory_space<vmem_shared>> -> memref<64x128xf32, #tpu.memory_space<vmem_shared>>
      tpu.enqueue_dma source(%arg12 : memref<64x128xf32, #tpu.memory_space<vmem>>) target(%dma_start3A_90 : memref<64x128xf32, #tpu.memory_space<vmem_shared>>) target_semaphore(%run_scoped3A : memref<!tpu.dma_semaphore, #tpu.memory_space<semaphore_mem>>)
      %dma_wait3A_91 = arith.constant 0 : i32
      %dma_wait3A_92 = tpu.memref_slice %arg13[%add3A_41, %dma_wait3A_91] : memref<10240x128xf32, #tpu.memory_space<vmem_shared>> -> memref<64x128xf32, #tpu.memory_space<vmem_shared>>
      %dma_wait3A_93 = arith.constant 0 : i32
      %dma_wait3A_94 = tpu.memref_slice %arg13[%add3A_41, %dma_wait3A_93] : memref<10240x128xf32, #tpu.memory_space<vmem_shared>> -> memref<64x128xf32, #tpu.memory_space<vmem_shared>>
      tpu.wait_dma2 semaphore(%run_scoped3A : memref<!tpu.dma_semaphore, #tpu.memory_space<semaphore_mem>>) src(%arg12 : memref<64x128xf32, #tpu.memory_space<vmem>>) dst(%dma_wait3A_94 : memref<64x128xf32, #tpu.memory_space<vmem_shared>>)
      tpu.yield
    }) : () -> ()
    %add3A_42 = arith.constant 192 : i32
    %add3A_43 = arith.addi %mul3A_35, %add3A_42 : i32
    "tpu.region"() ({
      %run_scoped3A = tpu.sem_alloc : memref<!tpu.dma_semaphore, #tpu.memory_space<semaphore_mem>>
      %dma_start3A_87 = arith.constant 0 : i32
      %dma_start3A_88 = tpu.memref_slice %arg13[%add3A_43, %dma_start3A_87] : memref<10240x128xf32, #tpu.memory_space<vmem_shared>> -> memref<64x128xf32, #tpu.memory_space<vmem_shared>>
      %dma_start3A_89 = arith.constant 0 : i32
      %dma_start3A_90 = tpu.memref_slice %arg13[%add3A_43, %dma_start3A_89] : memref<10240x128xf32, #tpu.memory_space<vmem_shared>> -> memref<64x128xf32, #tpu.memory_space<vmem_shared>>
      tpu.enqueue_dma source(%arg12 : memref<64x128xf32, #tpu.memory_space<vmem>>) target(%dma_start3A_90 : memref<64x128xf32, #tpu.memory_space<vmem_shared>>) target_semaphore(%run_scoped3A : memref<!tpu.dma_semaphore, #tpu.memory_space<semaphore_mem>>)
      %dma_wait3A_91 = arith.constant 0 : i32
      %dma_wait3A_92 = tpu.memref_slice %arg13[%add3A_43, %dma_wait3A_91] : memref<10240x128xf32, #tpu.memory_space<vmem_shared>> -> memref<64x128xf32, #tpu.memory_space<vmem_shared>>
      %dma_wait3A_93 = arith.constant 0 : i32
      %dma_wait3A_94 = tpu.memref_slice %arg13[%add3A_43, %dma_wait3A_93] : memref<10240x128xf32, #tpu.memory_space<vmem_shared>> -> memref<64x128xf32, #tpu.memory_space<vmem_shared>>
      tpu.wait_dma2 semaphore(%run_scoped3A : memref<!tpu.dma_semaphore, #tpu.memory_space<semaphore_mem>>) src(%arg12 : memref<64x128xf32, #tpu.memory_space<vmem>>) dst(%dma_wait3A_94 : memref<64x128xf32, #tpu.memory_space<vmem_shared>>)
      tpu.yield
    }) : () -> ()
    %add3A_44 = arith.constant 256 : i32
    %add3A_45 = arith.addi %mul3A_35, %add3A_44 : i32
    "tpu.region"() ({
      %run_scoped3A = tpu.sem_alloc : memref<!tpu.dma_semaphore, #tpu.memory_space<semaphore_mem>>
      %dma_start3A_87 = arith.constant 0 : i32
      %dma_start3A_88 = tpu.memref_slice %arg13[%add3A_45, %dma_start3A_87] : memref<10240x128xf32, #tpu.memory_space<vmem_shared>> -> memref<64x128xf32, #tpu.memory_space<vmem_shared>>
      %dma_start3A_89 = arith.constant 0 : i32
      %dma_start3A_90 = tpu.memref_slice %arg13[%add3A_45, %dma_start3A_89] : memref<10240x128xf32, #tpu.memory_space<vmem_shared>> -> memref<64x128xf32, #tpu.memory_space<vmem_shared>>
      tpu.enqueue_dma source(%arg12 : memref<64x128xf32, #tpu.memory_space<vmem>>) target(%dma_start3A_90 : memref<64x128xf32, #tpu.memory_space<vmem_shared>>) target_semaphore(%run_scoped3A : memref<!tpu.dma_semaphore, #tpu.memory_space<semaphore_mem>>)
      %dma_wait3A_91 = arith.constant 0 : i32
      %dma_wait3A_92 = tpu.memref_slice %arg13[%add3A_45, %dma_wait3A_91] : memref<10240x128xf32, #tpu.memory_space<vmem_shared>> -> memref<64x128xf32, #tpu.memory_space<vmem_shared>>
      %dma_wait3A_93 = arith.constant 0 : i32
      %dma_wait3A_94 = tpu.memref_slice %arg13[%add3A_45, %dma_wait3A_93] : memref<10240x128xf32, #tpu.memory_space<vmem_shared>> -> memref<64x128xf32, #tpu.memory_space<vmem_shared>>
      tpu.wait_dma2 semaphore(%run_scoped3A : memref<!tpu.dma_semaphore, #tpu.memory_space<semaphore_mem>>) src(%arg12 : memref<64x128xf32, #tpu.memory_space<vmem>>) dst(%dma_wait3A_94 : memref<64x128xf32, #tpu.memory_space<vmem_shared>>)
      tpu.yield
    }) : () -> ()
    %add3A_46 = arith.constant 320 : i32
    %add3A_47 = arith.addi %mul3A_35, %add3A_46 : i32
    "tpu.region"() ({
      %run_scoped3A = tpu.sem_alloc : memref<!tpu.dma_semaphore, #tpu.memory_space<semaphore_mem>>
      %dma_start3A_87 = arith.constant 0 : i32
      %dma_start3A_88 = tpu.memref_slice %arg13[%add3A_47, %dma_start3A_87] : memref<10240x128xf32, #tpu.memory_space<vmem_shared>> -> memref<64x128xf32, #tpu.memory_space<vmem_shared>>
      %dma_start3A_89 = arith.constant 0 : i32
      %dma_start3A_90 = tpu.memref_slice %arg13[%add3A_47, %dma_start3A_89] : memref<10240x128xf32, #tpu.memory_space<vmem_shared>> -> memref<64x128xf32, #tpu.memory_space<vmem_shared>>
      tpu.enqueue_dma source(%arg12 : memref<64x128xf32, #tpu.memory_space<vmem>>) target(%dma_start3A_90 : memref<64x128xf32, #tpu.memory_space<vmem_shared>>) target_semaphore(%run_scoped3A : memref<!tpu.dma_semaphore, #tpu.memory_space<semaphore_mem>>)
      %dma_wait3A_91 = arith.constant 0 : i32
      %dma_wait3A_92 = tpu.memref_slice %arg13[%add3A_47, %dma_wait3A_91] : memref<10240x128xf32, #tpu.memory_space<vmem_shared>> -> memref<64x128xf32, #tpu.memory_space<vmem_shared>>
      %dma_wait3A_93 = arith.constant 0 : i32
      %dma_wait3A_94 = tpu.memref_slice %arg13[%add3A_47, %dma_wait3A_93] : memref<10240x128xf32, #tpu.memory_space<vmem_shared>> -> memref<64x128xf32, #tpu.memory_space<vmem_shared>>
      tpu.wait_dma2 semaphore(%run_scoped3A : memref<!tpu.dma_semaphore, #tpu.memory_space<semaphore_mem>>) src(%arg12 : memref<64x128xf32, #tpu.memory_space<vmem>>) dst(%dma_wait3A_94 : memref<64x128xf32, #tpu.memory_space<vmem_shared>>)
      tpu.yield
    }) : () -> ()
    %add3A_48 = arith.constant 384 : i32
    %add3A_49 = arith.addi %mul3A_35, %add3A_48 : i32
    "tpu.region"() ({
      %run_scoped3A = tpu.sem_alloc : memref<!tpu.dma_semaphore, #tpu.memory_space<semaphore_mem>>
      %dma_start3A_87 = arith.constant 0 : i32
      %dma_start3A_88 = tpu.memref_slice %arg13[%add3A_49, %dma_start3A_87] : memref<10240x128xf32, #tpu.memory_space<vmem_shared>> -> memref<64x128xf32, #tpu.memory_space<vmem_shared>>
      %dma_start3A_89 = arith.constant 0 : i32
      %dma_start3A_90 = tpu.memref_slice %arg13[%add3A_49, %dma_start3A_89] : memref<10240x128xf32, #tpu.memory_space<vmem_shared>> -> memref<64x128xf32, #tpu.memory_space<vmem_shared>>
      tpu.enqueue_dma source(%arg12 : memref<64x128xf32, #tpu.memory_space<vmem>>) target(%dma_start3A_90 : memref<64x128xf32, #tpu.memory_space<vmem_shared>>) target_semaphore(%run_scoped3A : memref<!tpu.dma_semaphore, #tpu.memory_space<semaphore_mem>>)
      %dma_wait3A_91 = arith.constant 0 : i32
      %dma_wait3A_92 = tpu.memref_slice %arg13[%add3A_49, %dma_wait3A_91] : memref<10240x128xf32, #tpu.memory_space<vmem_shared>> -> memref<64x128xf32, #tpu.memory_space<vmem_shared>>
      %dma_wait3A_93 = arith.constant 0 : i32
      %dma_wait3A_94 = tpu.memref_slice %arg13[%add3A_49, %dma_wait3A_93] : memref<10240x128xf32, #tpu.memory_space<vmem_shared>> -> memref<64x128xf32, #tpu.memory_space<vmem_shared>>
      tpu.wait_dma2 semaphore(%run_scoped3A : memref<!tpu.dma_semaphore, #tpu.memory_space<semaphore_mem>>) src(%arg12 : memref<64x128xf32, #tpu.memory_space<vmem>>) dst(%dma_wait3A_94 : memref<64x128xf32, #tpu.memory_space<vmem_shared>>)
      tpu.yield
    }) : () -> ()
    %add3A_50 = arith.constant 448 : i32
    %add3A_51 = arith.addi %mul3A_35, %add3A_50 : i32
    "tpu.region"() ({
      %run_scoped3A = tpu.sem_alloc : memref<!tpu.dma_semaphore, #tpu.memory_space<semaphore_mem>>
      %dma_start3A_87 = arith.constant 0 : i32
      %dma_start3A_88 = tpu.memref_slice %arg13[%add3A_51, %dma_start3A_87] : memref<10240x128xf32, #tpu.memory_space<vmem_shared>> -> memref<64x128xf32, #tpu.memory_space<vmem_shared>>
      %dma_start3A_89 = arith.constant 0 : i32
      %dma_start3A_90 = tpu.memref_slice %arg13[%add3A_51, %dma_start3A_89] : memref<10240x128xf32, #tpu.memory_space<vmem_shared>> -> memref<64x128xf32, #tpu.memory_space<vmem_shared>>
      tpu.enqueue_dma source(%arg12 : memref<64x128xf32, #tpu.memory_space<vmem>>) target(%dma_start3A_90 : memref<64x128xf32, #tpu.memory_space<vmem_shared>>) target_semaphore(%run_scoped3A : memref<!tpu.dma_semaphore, #tpu.memory_space<semaphore_mem>>)
      %dma_wait3A_91 = arith.constant 0 : i32
      %dma_wait3A_92 = tpu.memref_slice %arg13[%add3A_51, %dma_wait3A_91] : memref<10240x128xf32, #tpu.memory_space<vmem_shared>> -> memref<64x128xf32, #tpu.memory_space<vmem_shared>>
      %dma_wait3A_93 = arith.constant 0 : i32
      %dma_wait3A_94 = tpu.memref_slice %arg13[%add3A_51, %dma_wait3A_93] : memref<10240x128xf32, #tpu.memory_space<vmem_shared>> -> memref<64x128xf32, #tpu.memory_space<vmem_shared>>
      tpu.wait_dma2 semaphore(%run_scoped3A : memref<!tpu.dma_semaphore, #tpu.memory_space<semaphore_mem>>) src(%arg12 : memref<64x128xf32, #tpu.memory_space<vmem>>) dst(%dma_wait3A_94 : memref<64x128xf32, #tpu.memory_space<vmem_shared>>)
      tpu.yield
    }) : () -> ()
    %add3A_52 = arith.constant 512 : i32
    %add3A_53 = arith.addi %mul3A_35, %add3A_52 : i32
    "tpu.region"() ({
      %run_scoped3A = tpu.sem_alloc : memref<!tpu.dma_semaphore, #tpu.memory_space<semaphore_mem>>
      %dma_start3A_87 = arith.constant 0 : i32
      %dma_start3A_88 = tpu.memref_slice %arg13[%add3A_53, %dma_start3A_87] : memref<10240x128xf32, #tpu.memory_space<vmem_shared>> -> memref<64x128xf32, #tpu.memory_space<vmem_shared>>
      %dma_start3A_89 = arith.constant 0 : i32
      %dma_start3A_90 = tpu.memref_slice %arg13[%add3A_53, %dma_start3A_89] : memref<10240x128xf32, #tpu.memory_space<vmem_shared>> -> memref<64x128xf32, #tpu.memory_space<vmem_shared>>
      tpu.enqueue_dma source(%arg12 : memref<64x128xf32, #tpu.memory_space<vmem>>) target(%dma_start3A_90 : memref<64x128xf32, #tpu.memory_space<vmem_shared>>) target_semaphore(%run_scoped3A : memref<!tpu.dma_semaphore, #tpu.memory_space<semaphore_mem>>)
      %dma_wait3A_91 = arith.constant 0 : i32
      %dma_wait3A_92 = tpu.memref_slice %arg13[%add3A_53, %dma_wait3A_91] : memref<10240x128xf32, #tpu.memory_space<vmem_shared>> -> memref<64x128xf32, #tpu.memory_space<vmem_shared>>
      %dma_wait3A_93 = arith.constant 0 : i32
      %dma_wait3A_94 = tpu.memref_slice %arg13[%add3A_53, %dma_wait3A_93] : memref<10240x128xf32, #tpu.memory_space<vmem_shared>> -> memref<64x128xf32, #tpu.memory_space<vmem_shared>>
      tpu.wait_dma2 semaphore(%run_scoped3A : memref<!tpu.dma_semaphore, #tpu.memory_space<semaphore_mem>>) src(%arg12 : memref<64x128xf32, #tpu.memory_space<vmem>>) dst(%dma_wait3A_94 : memref<64x128xf32, #tpu.memory_space<vmem_shared>>)
      tpu.yield
    }) : () -> ()
    %add3A_54 = arith.constant 576 : i32
    %add3A_55 = arith.addi %mul3A_35, %add3A_54 : i32
    "tpu.region"() ({
      %run_scoped3A = tpu.sem_alloc : memref<!tpu.dma_semaphore, #tpu.memory_space<semaphore_mem>>
      %dma_start3A_87 = arith.constant 0 : i32
      %dma_start3A_88 = tpu.memref_slice %arg13[%add3A_55, %dma_start3A_87] : memref<10240x128xf32, #tpu.memory_space<vmem_shared>> -> memref<64x128xf32, #tpu.memory_space<vmem_shared>>
      %dma_start3A_89 = arith.constant 0 : i32
      %dma_start3A_90 = tpu.memref_slice %arg13[%add3A_55, %dma_start3A_89] : memref<10240x128xf32, #tpu.memory_space<vmem_shared>> -> memref<64x128xf32, #tpu.memory_space<vmem_shared>>
      tpu.enqueue_dma source(%arg12 : memref<64x128xf32, #tpu.memory_space<vmem>>) target(%dma_start3A_90 : memref<64x128xf32, #tpu.memory_space<vmem_shared>>) target_semaphore(%run_scoped3A : memref<!tpu.dma_semaphore, #tpu.memory_space<semaphore_mem>>)
      %dma_wait3A_91 = arith.constant 0 : i32
      %dma_wait3A_92 = tpu.memref_slice %arg13[%add3A_55, %dma_wait3A_91] : memref<10240x128xf32, #tpu.memory_space<vmem_shared>> -> memref<64x128xf32, #tpu.memory_space<vmem_shared>>
      %dma_wait3A_93 = arith.constant 0 : i32
      %dma_wait3A_94 = tpu.memref_slice %arg13[%add3A_55, %dma_wait3A_93] : memref<10240x128xf32, #tpu.memory_space<vmem_shared>> -> memref<64x128xf32, #tpu.memory_space<vmem_shared>>
      tpu.wait_dma2 semaphore(%run_scoped3A : memref<!tpu.dma_semaphore, #tpu.memory_space<semaphore_mem>>) src(%arg12 : memref<64x128xf32, #tpu.memory_space<vmem>>) dst(%dma_wait3A_94 : memref<64x128xf32, #tpu.memory_space<vmem_shared>>)
      tpu.yield
    }) : () -> ()
    %barrier3A = arith.constant 0 : index
    tpu.barrier barrier_id(%barrier3A)
    %jit3A_56 = arith.constant 2 : i32
    %div3A = arith.divsi %select_n3A, %jit3A_56 : i32
    %sign3A = arith.constant 0 : i32
    %sign3A_57 = arith.cmpi sgt, %select_n3A, %sign3A : i32
    %sign3A_58 = arith.extui %sign3A_57 : i1 to i32
    %sign3A_59 = arith.constant 0 : i32
    %sign3A_60 = arith.cmpi slt, %select_n3A, %sign3A_59 : i32
    %sign3A_61 = arith.extui %sign3A_60 : i1 to i32
    %sign3A_62 = arith.subi %sign3A_58, %sign3A_61 : i32
    %sign3A_63 = arith.constant 0 : i32
    %sign3A_64 = arith.cmpi sgt, %jit3A_56, %sign3A_63 : i32
    %sign3A_65 = arith.extui %sign3A_64 : i1 to i32
    %sign3A_66 = arith.constant 0 : i32
    %sign3A_67 = arith.cmpi slt, %jit3A_56, %sign3A_66 : i32
    %sign3A_68 = arith.extui %sign3A_67 : i1 to i32
    %sign3A_69 = arith.subi %sign3A_65, %sign3A_68 : i32
    %ne3A = arith.cmpi ne, %sign3A_62, %sign3A_69 : i32
    %rem3A = arith.remsi %select_n3A, %jit3A_56 : i32
    %ne3A_70 = arith.constant 0 : i32
    %ne3A_71 = arith.cmpi ne, %rem3A, %ne3A_70 : i32
    %and3A = arith.andi %ne3A, %ne3A_71 : i1
    %sub3A = arith.constant 1 : i32
    %sub3A_72 = arith.subi %div3A, %sub3A : i32
    %select_n3A_73 = arith.select %and3A, %sub3A_72, %div3A : i32
    %while3A = arith.constant 0 : i32
    %while3A_74 = arith.constant 0 : i32
    %while3A_75 = arith.subi %select_n3A_73, %while3A_74 : i32
    %while3A_76 = arith.addi %while3A_74, %while3A_75 : i32
    %while3A_77 = arith.constant 1 : i32
    %while3A_78 = arith.divsi %while3A_75, %while3A_77 : i32
    %while3A_79 = arith.muli %while3A_78, %while3A_77 : i32
    %while3A_80 = arith.addi %while3A_74, %while3A_79 : i32
    %while3A_81 = arith.constant 1 : i32
    scf.for %while3A_87 = %while3A_74 to %while3A_80 step %while3A_81  : i32 {
      %mul3A_88 = arith.constant 2 : i32
      %mul3A_89 = arith.muli %while3A_87, %mul3A_88 : i32
      %add3A_90 = arith.constant 0 : i32
      %add3A_91 = arith.addi %mul3A_89, %add3A_90 : i32
      %dma_wait3A_92 = arith.constant 0 : i32
      %dma_wait3A_93 = arith.constant 0 : i32
      %dma_wait3A_94 = tpu.memref_slice %arg2[%dma_wait3A_92, %dma_wait3A_93] : memref<10240x128xf32, #tpu.memory_space<hbm>> -> memref<10240x128xf32, #tpu.memory_space<hbm>>
      tpu.wait_indirect_dma semaphore(%arg14 : memref<!tpu.dma_semaphore, #tpu.memory_space<semaphore_mem>>) src(%dma_wait3A_94 : memref<10240x128xf32, #tpu.memory_space<hbm>>) dst(%arg10 : memref<128x128xf32, #tpu.memory_space<vmem>>)
      %sub3A_95 = arith.constant 1 : i32
      %sub3A_96 = arith.subi %select_n3A, %sub3A_95 : i32
      %lt3A = arith.cmpi slt, %add3A_91, %sub3A_96 : i32
      %convert_element_type3A = arith.extui %lt3A : i1 to i32
      %cond3A = arith.constant 0 : i32
      %cond3A_97 = arith.cmpi ne, %convert_element_type3A, %cond3A : i32
      scf.if %cond3A_97 {
        %dma_wait3A_131 = arith.constant 0 : i32
        %dma_wait3A_132 = tpu.memref_slice %arg3[%dma_wait3A_131] : memref<327680xi32, #tpu.memory_space<hbm>> -> memref<128xi32, #tpu.memory_space<hbm>>
        %dma_wait3A_133 = arith.constant 0 : i32
        %dma_wait3A_134 = tpu.memref_slice %arg3[%dma_wait3A_133] : memref<327680xi32, #tpu.memory_space<hbm>> -> memref<128xi32, #tpu.memory_space<hbm>>
        tpu.wait_dma2 semaphore(%arg17 : memref<!tpu.dma_semaphore, #tpu.memory_space<semaphore_mem>>) src(%dma_wait3A_134 : memref<128xi32, #tpu.memory_space<hbm>>) dst(%arg7 : memref<128xi32, #tpu.memory_space<vmem>>)
        %dma_start3A_135 = arith.constant 0 : i32
        %dma_start3A_136 = arith.constant 0 : i32
        %dma_start3A_137 = tpu.memref_slice %arg2[%dma_start3A_135, %dma_start3A_136] : memref<10240x128xf32, #tpu.memory_space<hbm>> -> memref<10240x128xf32, #tpu.memory_space<hbm>>
        tpu.enqueue_indirect_dma source(%dma_start3A_137 : memref<10240x128xf32, #tpu.memory_space<hbm>>) target(%arg11 : memref<128x128xf32, #tpu.memory_space<vmem>>) offsets(%arg7 : memref<128xi32, #tpu.memory_space<vmem>>) semaphore(%arg15 : memref<!tpu.dma_semaphore, #tpu.memory_space<semaphore_mem>>)
      } else {
      }
      %dma_wait3A_98 = arith.constant 0 : i32
      %dma_wait3A_99 = tpu.memref_slice %arg4[%dma_wait3A_98] : memref<327680xi32, #tpu.memory_space<hbm>> -> memref<128xi32, #tpu.memory_space<hbm>>
      %dma_wait3A_100 = arith.constant 0 : i32
      %dma_wait3A_101 = tpu.memref_slice %arg4[%dma_wait3A_100] : memref<327680xi32, #tpu.memory_space<hbm>> -> memref<128xi32, #tpu.memory_space<hbm>>
      tpu.wait_dma2 semaphore(%arg18 : memref<!tpu.dma_semaphore, #tpu.memory_space<semaphore_mem>>) src(%dma_wait3A_101 : memref<128xi32, #tpu.memory_space<hbm>>) dst(%arg8 : memref<128xi32, #tpu.memory_space<vmem>>)
      "tpu.region"() ({
        %run_scoped3A = tpu.sem_alloc : memref<!tpu.dma_semaphore, #tpu.memory_space<semaphore_mem>>
        %dma_start3A_131 = arith.constant 0 : i32
        %dma_start3A_132 = arith.constant 0 : i32
        %dma_start3A_133 = tpu.memref_slice %arg13[%dma_start3A_131, %dma_start3A_132] : memref<10240x128xf32, #tpu.memory_space<vmem_shared>> -> memref<10240x128xf32, #tpu.memory_space<vmem_shared>>
        tpu.enqueue_indirect_dma source(%arg10 : memref<128x128xf32, #tpu.memory_space<vmem>>) target(%dma_start3A_133 : memref<10240x128xf32, #tpu.memory_space<vmem_shared>>) offsets(%arg8 : memref<128xi32, #tpu.memory_space<vmem>>) semaphore(%run_scoped3A : memref<!tpu.dma_semaphore, #tpu.memory_space<semaphore_mem>>) {add = true}
        %dma_wait3A_134 = arith.constant 0 : i32
        %dma_wait3A_135 = arith.constant 0 : i32
        %dma_wait3A_136 = tpu.memref_slice %arg13[%dma_wait3A_134, %dma_wait3A_135] : memref<10240x128xf32, #tpu.memory_space<vmem_shared>> -> memref<10240x128xf32, #tpu.memory_space<vmem_shared>>
        tpu.wait_indirect_dma semaphore(%run_scoped3A : memref<!tpu.dma_semaphore, #tpu.memory_space<semaphore_mem>>) src(%arg10 : memref<128x128xf32, #tpu.memory_space<vmem>>) dst(%dma_wait3A_136 : memref<10240x128xf32, #tpu.memory_space<vmem_shared>>)
        tpu.yield
      }) : () -> ()
      %sub3A_102 = arith.constant 2 : i32
      %sub3A_103 = arith.subi %select_n3A, %sub3A_102 : i32
      %lt3A_104 = arith.cmpi slt, %add3A_91, %sub3A_103 : i32
      %convert_element_type3A_105 = arith.extui %lt3A_104 : i1 to i32
      %cond3A_106 = arith.constant 0 : i32
      %cond3A_107 = arith.cmpi ne, %convert_element_type3A_105, %cond3A_106 : i32
      scf.if %cond3A_107 {
        %add3A_131 = arith.constant 2 : i32
        %add3A_132 = arith.addi %add3A_91, %add3A_131 : i32
        %mul3A_133 = arith.constant 128 : i32
        %mul3A_134 = arith.muli %add3A_132, %mul3A_133 : i32
        %add3A_135 = arith.addi %mul3A_10, %mul3A_134 : i32
        %multiple_of3A_136 = tpu.assume_multiple %add3A_135, 128 : i32
        %dma_start3A_137 = tpu.memref_slice %arg3[%multiple_of3A_136] : memref<327680xi32, #tpu.memory_space<hbm>> -> memref<128xi32, #tpu.memory_space<hbm>>
        %dma_start3A_138 = tpu.memref_slice %arg3[%multiple_of3A_136] : memref<327680xi32, #tpu.memory_space<hbm>> -> memref<128xi32, #tpu.memory_space<hbm>>
        tpu.enqueue_dma source(%dma_start3A_138 : memref<128xi32, #tpu.memory_space<hbm>>) target(%arg6 : memref<128xi32, #tpu.memory_space<vmem>>) target_semaphore(%arg16 : memref<!tpu.dma_semaphore, #tpu.memory_space<semaphore_mem>>)
        %dma_start3A_139 = tpu.memref_slice %arg4[%multiple_of3A_136] : memref<327680xi32, #tpu.memory_space<hbm>> -> memref<128xi32, #tpu.memory_space<hbm>>
        %dma_start3A_140 = tpu.memref_slice %arg4[%multiple_of3A_136] : memref<327680xi32, #tpu.memory_space<hbm>> -> memref<128xi32, #tpu.memory_space<hbm>>
        tpu.enqueue_dma source(%dma_start3A_140 : memref<128xi32, #tpu.memory_space<hbm>>) target(%arg8 : memref<128xi32, #tpu.memory_space<vmem>>) target_semaphore(%arg18 : memref<!tpu.dma_semaphore, #tpu.memory_space<semaphore_mem>>)
      } else {
      }
      %mul3A_108 = arith.constant 2 : i32
      %mul3A_109 = arith.muli %while3A_87, %mul3A_108 : i32
      %add3A_110 = arith.constant 1 : i32
      %add3A_111 = arith.addi %mul3A_109, %add3A_110 : i32
      %dma_wait3A_112 = arith.constant 0 : i32
      %dma_wait3A_113 = arith.constant 0 : i32
      %dma_wait3A_114 = tpu.memref_slice %arg2[%dma_wait3A_112, %dma_wait3A_113] : memref<10240x128xf32, #tpu.memory_space<hbm>> -> memref<10240x128xf32, #tpu.memory_space<hbm>>
      tpu.wait_indirect_dma semaphore(%arg15 : memref<!tpu.dma_semaphore, #tpu.memory_space<semaphore_mem>>) src(%dma_wait3A_114 : memref<10240x128xf32, #tpu.memory_space<hbm>>) dst(%arg11 : memref<128x128xf32, #tpu.memory_space<vmem>>)
      %sub3A_115 = arith.constant 1 : i32
      %sub3A_116 = arith.subi %select_n3A, %sub3A_115 : i32
      %lt3A_117 = arith.cmpi slt, %add3A_111, %sub3A_116 : i32
      %convert_element_type3A_118 = arith.extui %lt3A_117 : i1 to i32
      %cond3A_119 = arith.constant 0 : i32
      %cond3A_120 = arith.cmpi ne, %convert_element_type3A_118, %cond3A_119 : i32
      scf.if %cond3A_120 {
        %dma_wait3A_131 = arith.constant 0 : i32
        %dma_wait3A_132 = tpu.memref_slice %arg3[%dma_wait3A_131] : memref<327680xi32, #tpu.memory_space<hbm>> -> memref<128xi32, #tpu.memory_space<hbm>>
        %dma_wait3A_133 = arith.constant 0 : i32
        %dma_wait3A_134 = tpu.memref_slice %arg3[%dma_wait3A_133] : memref<327680xi32, #tpu.memory_space<hbm>> -> memref<128xi32, #tpu.memory_space<hbm>>
        tpu.wait_dma2 semaphore(%arg16 : memref<!tpu.dma_semaphore, #tpu.memory_space<semaphore_mem>>) src(%dma_wait3A_134 : memref<128xi32, #tpu.memory_space<hbm>>) dst(%arg6 : memref<128xi32, #tpu.memory_space<vmem>>)
        %dma_start3A_135 = arith.constant 0 : i32
        %dma_start3A_136 = arith.constant 0 : i32
        %dma_start3A_137 = tpu.memref_slice %arg2[%dma_start3A_135, %dma_start3A_136] : memref<10240x128xf32, #tpu.memory_space<hbm>> -> memref<10240x128xf32, #tpu.memory_space<hbm>>
        tpu.enqueue_indirect_dma source(%dma_start3A_137 : memref<10240x128xf32, #tpu.memory_space<hbm>>) target(%arg10 : memref<128x128xf32, #tpu.memory_space<vmem>>) offsets(%arg6 : memref<128xi32, #tpu.memory_space<vmem>>) semaphore(%arg14 : memref<!tpu.dma_semaphore, #tpu.memory_space<semaphore_mem>>)
      } else {
      }
      %dma_wait3A_121 = arith.constant 0 : i32
      %dma_wait3A_122 = tpu.memref_slice %arg4[%dma_wait3A_121] : memref<327680xi32, #tpu.memory_space<hbm>> -> memref<128xi32, #tpu.memory_space<hbm>>
      %dma_wait3A_123 = arith.constant 0 : i32
      %dma_wait3A_124 = tpu.memref_slice %arg4[%dma_wait3A_123] : memref<327680xi32, #tpu.memory_space<hbm>> -> memref<128xi32, #tpu.memory_space<hbm>>
      tpu.wait_dma2 semaphore(%arg19 : memref<!tpu.dma_semaphore, #tpu.memory_space<semaphore_mem>>) src(%dma_wait3A_124 : memref<128xi32, #tpu.memory_space<hbm>>) dst(%arg9 : memref<128xi32, #tpu.memory_space<vmem>>)
      "tpu.region"() ({
        %run_scoped3A = tpu.sem_alloc : memref<!tpu.dma_semaphore, #tpu.memory_space<semaphore_mem>>
        %dma_start3A_131 = arith.constant 0 : i32
        %dma_start3A_132 = arith.constant 0 : i32
        %dma_start3A_133 = tpu.memref_slice %arg13[%dma_start3A_131, %dma_start3A_132] : memref<10240x128xf32, #tpu.memory_space<vmem_shared>> -> memref<10240x128xf32, #tpu.memory_space<vmem_shared>>
        tpu.enqueue_indirect_dma source(%arg11 : memref<128x128xf32, #tpu.memory_space<vmem>>) target(%dma_start3A_133 : memref<10240x128xf32, #tpu.memory_space<vmem_shared>>) offsets(%arg9 : memref<128xi32, #tpu.memory_space<vmem>>) semaphore(%run_scoped3A : memref<!tpu.dma_semaphore, #tpu.memory_space<semaphore_mem>>) {add = true}
        %dma_wait3A_134 = arith.constant 0 : i32
        %dma_wait3A_135 = arith.constant 0 : i32
        %dma_wait3A_136 = tpu.memref_slice %arg13[%dma_wait3A_134, %dma_wait3A_135] : memref<10240x128xf32, #tpu.memory_space<vmem_shared>> -> memref<10240x128xf32, #tpu.memory_space<vmem_shared>>
        tpu.wait_indirect_dma semaphore(%run_scoped3A : memref<!tpu.dma_semaphore, #tpu.memory_space<semaphore_mem>>) src(%arg11 : memref<128x128xf32, #tpu.memory_space<vmem>>) dst(%dma_wait3A_136 : memref<10240x128xf32, #tpu.memory_space<vmem_shared>>)
        tpu.yield
      }) : () -> ()
      %sub3A_125 = arith.constant 2 : i32
      %sub3A_126 = arith.subi %select_n3A, %sub3A_125 : i32
      %lt3A_127 = arith.cmpi slt, %add3A_111, %sub3A_126 : i32
      %convert_element_type3A_128 = arith.extui %lt3A_127 : i1 to i32
      %cond3A_129 = arith.constant 0 : i32
      %cond3A_130 = arith.cmpi ne, %convert_element_type3A_128, %cond3A_129 : i32
      scf.if %cond3A_130 {
        %add3A_131 = arith.constant 2 : i32
        %add3A_132 = arith.addi %add3A_111, %add3A_131 : i32
        %mul3A_133 = arith.constant 128 : i32
        %mul3A_134 = arith.muli %add3A_132, %mul3A_133 : i32
        %add3A_135 = arith.addi %mul3A_10, %mul3A_134 : i32
        %multiple_of3A_136 = tpu.assume_multiple %add3A_135, 128 : i32
        %dma_start3A_137 = tpu.memref_slice %arg3[%multiple_of3A_136] : memref<327680xi32, #tpu.memory_space<hbm>> -> memref<128xi32, #tpu.memory_space<hbm>>
        %dma_start3A_138 = tpu.memref_slice %arg3[%multiple_of3A_136] : memref<327680xi32, #tpu.memory_space<hbm>> -> memref<128xi32, #tpu.memory_space<hbm>>
        tpu.enqueue_dma source(%dma_start3A_138 : memref<128xi32, #tpu.memory_space<hbm>>) target(%arg7 : memref<128xi32, #tpu.memory_space<vmem>>) target_semaphore(%arg17 : memref<!tpu.dma_semaphore, #tpu.memory_space<semaphore_mem>>)
        %dma_start3A_139 = tpu.memref_slice %arg4[%multiple_of3A_136] : memref<327680xi32, #tpu.memory_space<hbm>> -> memref<128xi32, #tpu.memory_space<hbm>>
        %dma_start3A_140 = tpu.memref_slice %arg4[%multiple_of3A_136] : memref<327680xi32, #tpu.memory_space<hbm>> -> memref<128xi32, #tpu.memory_space<hbm>>
        tpu.enqueue_dma source(%dma_start3A_140 : memref<128xi32, #tpu.memory_space<hbm>>) target(%arg9 : memref<128xi32, #tpu.memory_space<vmem>>) target_semaphore(%arg19 : memref<!tpu.dma_semaphore, #tpu.memory_space<semaphore_mem>>)
      } else {
      }
    }
    %while3A_82 = arith.constant 1 : i32
    scf.for %while3A_87 = %while3A_80 to %while3A_76 step %while3A_82  : i32 {
      %mul3A_88 = arith.constant 2 : i32
      %mul3A_89 = arith.muli %while3A_87, %mul3A_88 : i32
      %add3A_90 = arith.constant 0 : i32
      %add3A_91 = arith.addi %mul3A_89, %add3A_90 : i32
      %dma_wait3A_92 = arith.constant 0 : i32
      %dma_wait3A_93 = arith.constant 0 : i32
      %dma_wait3A_94 = tpu.memref_slice %arg2[%dma_wait3A_92, %dma_wait3A_93] : memref<10240x128xf32, #tpu.memory_space<hbm>> -> memref<10240x128xf32, #tpu.memory_space<hbm>>
      tpu.wait_indirect_dma semaphore(%arg14 : memref<!tpu.dma_semaphore, #tpu.memory_space<semaphore_mem>>) src(%dma_wait3A_94 : memref<10240x128xf32, #tpu.memory_space<hbm>>) dst(%arg10 : memref<128x128xf32, #tpu.memory_space<vmem>>)
      %sub3A_95 = arith.constant 1 : i32
      %sub3A_96 = arith.subi %select_n3A, %sub3A_95 : i32
      %lt3A = arith.cmpi slt, %add3A_91, %sub3A_96 : i32
      %convert_element_type3A = arith.extui %lt3A : i1 to i32
      %cond3A = arith.constant 0 : i32
      %cond3A_97 = arith.cmpi ne, %convert_element_type3A, %cond3A : i32
      scf.if %cond3A_97 {
        %dma_wait3A_131 = arith.constant 0 : i32
        %dma_wait3A_132 = tpu.memref_slice %arg3[%dma_wait3A_131] : memref<327680xi32, #tpu.memory_space<hbm>> -> memref<128xi32, #tpu.memory_space<hbm>>
        %dma_wait3A_133 = arith.constant 0 : i32
        %dma_wait3A_134 = tpu.memref_slice %arg3[%dma_wait3A_133] : memref<327680xi32, #tpu.memory_space<hbm>> -> memref<128xi32, #tpu.memory_space<hbm>>
        tpu.wait_dma2 semaphore(%arg17 : memref<!tpu.dma_semaphore, #tpu.memory_space<semaphore_mem>>) src(%dma_wait3A_134 : memref<128xi32, #tpu.memory_space<hbm>>) dst(%arg7 : memref<128xi32, #tpu.memory_space<vmem>>)
        %dma_start3A_135 = arith.constant 0 : i32
        %dma_start3A_136 = arith.constant 0 : i32
        %dma_start3A_137 = tpu.memref_slice %arg2[%dma_start3A_135, %dma_start3A_136] : memref<10240x128xf32, #tpu.memory_space<hbm>> -> memref<10240x128xf32, #tpu.memory_space<hbm>>
        tpu.enqueue_indirect_dma source(%dma_start3A_137 : memref<10240x128xf32, #tpu.memory_space<hbm>>) target(%arg11 : memref<128x128xf32, #tpu.memory_space<vmem>>) offsets(%arg7 : memref<128xi32, #tpu.memory_space<vmem>>) semaphore(%arg15 : memref<!tpu.dma_semaphore, #tpu.memory_space<semaphore_mem>>)
      } else {
      }
      %dma_wait3A_98 = arith.constant 0 : i32
      %dma_wait3A_99 = tpu.memref_slice %arg4[%dma_wait3A_98] : memref<327680xi32, #tpu.memory_space<hbm>> -> memref<128xi32, #tpu.memory_space<hbm>>
      %dma_wait3A_100 = arith.constant 0 : i32
      %dma_wait3A_101 = tpu.memref_slice %arg4[%dma_wait3A_100] : memref<327680xi32, #tpu.memory_space<hbm>> -> memref<128xi32, #tpu.memory_space<hbm>>
      tpu.wait_dma2 semaphore(%arg18 : memref<!tpu.dma_semaphore, #tpu.memory_space<semaphore_mem>>) src(%dma_wait3A_101 : memref<128xi32, #tpu.memory_space<hbm>>) dst(%arg8 : memref<128xi32, #tpu.memory_space<vmem>>)
      "tpu.region"() ({
        %run_scoped3A = tpu.sem_alloc : memref<!tpu.dma_semaphore, #tpu.memory_space<semaphore_mem>>
        %dma_start3A_131 = arith.constant 0 : i32
        %dma_start3A_132 = arith.constant 0 : i32
        %dma_start3A_133 = tpu.memref_slice %arg13[%dma_start3A_131, %dma_start3A_132] : memref<10240x128xf32, #tpu.memory_space<vmem_shared>> -> memref<10240x128xf32, #tpu.memory_space<vmem_shared>>
        tpu.enqueue_indirect_dma source(%arg10 : memref<128x128xf32, #tpu.memory_space<vmem>>) target(%dma_start3A_133 : memref<10240x128xf32, #tpu.memory_space<vmem_shared>>) offsets(%arg8 : memref<128xi32, #tpu.memory_space<vmem>>) semaphore(%run_scoped3A : memref<!tpu.dma_semaphore, #tpu.memory_space<semaphore_mem>>) {add = true}
        %dma_wait3A_134 = arith.constant 0 : i32
        %dma_wait3A_135 = arith.constant 0 : i32
        %dma_wait3A_136 = tpu.memref_slice %arg13[%dma_wait3A_134, %dma_wait3A_135] : memref<10240x128xf32, #tpu.memory_space<vmem_shared>> -> memref<10240x128xf32, #tpu.memory_space<vmem_shared>>
        tpu.wait_indirect_dma semaphore(%run_scoped3A : memref<!tpu.dma_semaphore, #tpu.memory_space<semaphore_mem>>) src(%arg10 : memref<128x128xf32, #tpu.memory_space<vmem>>) dst(%dma_wait3A_136 : memref<10240x128xf32, #tpu.memory_space<vmem_shared>>)
        tpu.yield
      }) : () -> ()
      %sub3A_102 = arith.constant 2 : i32
      %sub3A_103 = arith.subi %select_n3A, %sub3A_102 : i32
      %lt3A_104 = arith.cmpi slt, %add3A_91, %sub3A_103 : i32
      %convert_element_type3A_105 = arith.extui %lt3A_104 : i1 to i32
      %cond3A_106 = arith.constant 0 : i32
      %cond3A_107 = arith.cmpi ne, %convert_element_type3A_105, %cond3A_106 : i32
      scf.if %cond3A_107 {
        %add3A_131 = arith.constant 2 : i32
        %add3A_132 = arith.addi %add3A_91, %add3A_131 : i32
        %mul3A_133 = arith.constant 128 : i32
        %mul3A_134 = arith.muli %add3A_132, %mul3A_133 : i32
        %add3A_135 = arith.addi %mul3A_10, %mul3A_134 : i32
        %multiple_of3A_136 = tpu.assume_multiple %add3A_135, 128 : i32
        %dma_start3A_137 = tpu.memref_slice %arg3[%multiple_of3A_136] : memref<327680xi32, #tpu.memory_space<hbm>> -> memref<128xi32, #tpu.memory_space<hbm>>
        %dma_start3A_138 = tpu.memref_slice %arg3[%multiple_of3A_136] : memref<327680xi32, #tpu.memory_space<hbm>> -> memref<128xi32, #tpu.memory_space<hbm>>
        tpu.enqueue_dma source(%dma_start3A_138 : memref<128xi32, #tpu.memory_space<hbm>>) target(%arg6 : memref<128xi32, #tpu.memory_space<vmem>>) target_semaphore(%arg16 : memref<!tpu.dma_semaphore, #tpu.memory_space<semaphore_mem>>)
        %dma_start3A_139 = tpu.memref_slice %arg4[%multiple_of3A_136] : memref<327680xi32, #tpu.memory_space<hbm>> -> memref<128xi32, #tpu.memory_space<hbm>>
        %dma_start3A_140 = tpu.memref_slice %arg4[%multiple_of3A_136] : memref<327680xi32, #tpu.memory_space<hbm>> -> memref<128xi32, #tpu.memory_space<hbm>>
        tpu.enqueue_dma source(%dma_start3A_140 : memref<128xi32, #tpu.memory_space<hbm>>) target(%arg8 : memref<128xi32, #tpu.memory_space<vmem>>) target_semaphore(%arg18 : memref<!tpu.dma_semaphore, #tpu.memory_space<semaphore_mem>>)
      } else {
      }
      %mul3A_108 = arith.constant 2 : i32
      %mul3A_109 = arith.muli %while3A_87, %mul3A_108 : i32
      %add3A_110 = arith.constant 1 : i32
      %add3A_111 = arith.addi %mul3A_109, %add3A_110 : i32
      %dma_wait3A_112 = arith.constant 0 : i32
      %dma_wait3A_113 = arith.constant 0 : i32
      %dma_wait3A_114 = tpu.memref_slice %arg2[%dma_wait3A_112, %dma_wait3A_113] : memref<10240x128xf32, #tpu.memory_space<hbm>> -> memref<10240x128xf32, #tpu.memory_space<hbm>>
      tpu.wait_indirect_dma semaphore(%arg15 : memref<!tpu.dma_semaphore, #tpu.memory_space<semaphore_mem>>) src(%dma_wait3A_114 : memref<10240x128xf32, #tpu.memory_space<hbm>>) dst(%arg11 : memref<128x128xf32, #tpu.memory_space<vmem>>)
      %sub3A_115 = arith.constant 1 : i32
      %sub3A_116 = arith.subi %select_n3A, %sub3A_115 : i32
      %lt3A_117 = arith.cmpi slt, %add3A_111, %sub3A_116 : i32
      %convert_element_type3A_118 = arith.extui %lt3A_117 : i1 to i32
      %cond3A_119 = arith.constant 0 : i32
      %cond3A_120 = arith.cmpi ne, %convert_element_type3A_118, %cond3A_119 : i32
      scf.if %cond3A_120 {
        %dma_wait3A_131 = arith.constant 0 : i32
        %dma_wait3A_132 = tpu.memref_slice %arg3[%dma_wait3A_131] : memref<327680xi32, #tpu.memory_space<hbm>> -> memref<128xi32, #tpu.memory_space<hbm>>
        %dma_wait3A_133 = arith.constant 0 : i32
        %dma_wait3A_134 = tpu.memref_slice %arg3[%dma_wait3A_133] : memref<327680xi32, #tpu.memory_space<hbm>> -> memref<128xi32, #tpu.memory_space<hbm>>
        tpu.wait_dma2 semaphore(%arg16 : memref<!tpu.dma_semaphore, #tpu.memory_space<semaphore_mem>>) src(%dma_wait3A_134 : memref<128xi32, #tpu.memory_space<hbm>>) dst(%arg6 : memref<128xi32, #tpu.memory_space<vmem>>)
        %dma_start3A_135 = arith.constant 0 : i32
        %dma_start3A_136 = arith.constant 0 : i32
        %dma_start3A_137 = tpu.memref_slice %arg2[%dma_start3A_135, %dma_start3A_136] : memref<10240x128xf32, #tpu.memory_space<hbm>> -> memref<10240x128xf32, #tpu.memory_space<hbm>>
        tpu.enqueue_indirect_dma source(%dma_start3A_137 : memref<10240x128xf32, #tpu.memory_space<hbm>>) target(%arg10 : memref<128x128xf32, #tpu.memory_space<vmem>>) offsets(%arg6 : memref<128xi32, #tpu.memory_space<vmem>>) semaphore(%arg14 : memref<!tpu.dma_semaphore, #tpu.memory_space<semaphore_mem>>)
      } else {
      }
      %dma_wait3A_121 = arith.constant 0 : i32
      %dma_wait3A_122 = tpu.memref_slice %arg4[%dma_wait3A_121] : memref<327680xi32, #tpu.memory_space<hbm>> -> memref<128xi32, #tpu.memory_space<hbm>>
      %dma_wait3A_123 = arith.constant 0 : i32
      %dma_wait3A_124 = tpu.memref_slice %arg4[%dma_wait3A_123] : memref<327680xi32, #tpu.memory_space<hbm>> -> memref<128xi32, #tpu.memory_space<hbm>>
      tpu.wait_dma2 semaphore(%arg19 : memref<!tpu.dma_semaphore, #tpu.memory_space<semaphore_mem>>) src(%dma_wait3A_124 : memref<128xi32, #tpu.memory_space<hbm>>) dst(%arg9 : memref<128xi32, #tpu.memory_space<vmem>>)
      "tpu.region"() ({
        %run_scoped3A = tpu.sem_alloc : memref<!tpu.dma_semaphore, #tpu.memory_space<semaphore_mem>>
        %dma_start3A_131 = arith.constant 0 : i32
        %dma_start3A_132 = arith.constant 0 : i32
        %dma_start3A_133 = tpu.memref_slice %arg13[%dma_start3A_131, %dma_start3A_132] : memref<10240x128xf32, #tpu.memory_space<vmem_shared>> -> memref<10240x128xf32, #tpu.memory_space<vmem_shared>>
        tpu.enqueue_indirect_dma source(%arg11 : memref<128x128xf32, #tpu.memory_space<vmem>>) target(%dma_start3A_133 : memref<10240x128xf32, #tpu.memory_space<vmem_shared>>) offsets(%arg9 : memref<128xi32, #tpu.memory_space<vmem>>) semaphore(%run_scoped3A : memref<!tpu.dma_semaphore, #tpu.memory_space<semaphore_mem>>) {add = true}
        %dma_wait3A_134 = arith.constant 0 : i32
        %dma_wait3A_135 = arith.constant 0 : i32
        %dma_wait3A_136 = tpu.memref_slice %arg13[%dma_wait3A_134, %dma_wait3A_135] : memref<10240x128xf32, #tpu.memory_space<vmem_shared>> -> memref<10240x128xf32, #tpu.memory_space<vmem_shared>>
        tpu.wait_indirect_dma semaphore(%run_scoped3A : memref<!tpu.dma_semaphore, #tpu.memory_space<semaphore_mem>>) src(%arg11 : memref<128x128xf32, #tpu.memory_space<vmem>>) dst(%dma_wait3A_136 : memref<10240x128xf32, #tpu.memory_space<vmem_shared>>)
        tpu.yield
      }) : () -> ()
      %sub3A_125 = arith.constant 2 : i32
      %sub3A_126 = arith.subi %select_n3A, %sub3A_125 : i32
      %lt3A_127 = arith.cmpi slt, %add3A_111, %sub3A_126 : i32
      %convert_element_type3A_128 = arith.extui %lt3A_127 : i1 to i32
      %cond3A_129 = arith.constant 0 : i32
      %cond3A_130 = arith.cmpi ne, %convert_element_type3A_128, %cond3A_129 : i32
      scf.if %cond3A_130 {
        %add3A_131 = arith.constant 2 : i32
        %add3A_132 = arith.addi %add3A_111, %add3A_131 : i32
        %mul3A_133 = arith.constant 128 : i32
        %mul3A_134 = arith.muli %add3A_132, %mul3A_133 : i32
        %add3A_135 = arith.addi %mul3A_10, %mul3A_134 : i32
        %multiple_of3A_136 = tpu.assume_multiple %add3A_135, 128 : i32
        %dma_start3A_137 = tpu.memref_slice %arg3[%multiple_of3A_136] : memref<327680xi32, #tpu.memory_space<hbm>> -> memref<128xi32, #tpu.memory_space<hbm>>
        %dma_start3A_138 = tpu.memref_slice %arg3[%multiple_of3A_136] : memref<327680xi32, #tpu.memory_space<hbm>> -> memref<128xi32, #tpu.memory_space<hbm>>
        tpu.enqueue_dma source(%dma_start3A_138 : memref<128xi32, #tpu.memory_space<hbm>>) target(%arg7 : memref<128xi32, #tpu.memory_space<vmem>>) target_semaphore(%arg17 : memref<!tpu.dma_semaphore, #tpu.memory_space<semaphore_mem>>)
        %dma_start3A_139 = tpu.memref_slice %arg4[%multiple_of3A_136] : memref<327680xi32, #tpu.memory_space<hbm>> -> memref<128xi32, #tpu.memory_space<hbm>>
        %dma_start3A_140 = tpu.memref_slice %arg4[%multiple_of3A_136] : memref<327680xi32, #tpu.memory_space<hbm>> -> memref<128xi32, #tpu.memory_space<hbm>>
        tpu.enqueue_dma source(%dma_start3A_140 : memref<128xi32, #tpu.memory_space<hbm>>) target(%arg9 : memref<128xi32, #tpu.memory_space<vmem>>) target_semaphore(%arg19 : memref<!tpu.dma_semaphore, #tpu.memory_space<semaphore_mem>>)
      } else {
      }
    }
    %barrier3A_83 = arith.constant 0 : index
    tpu.barrier barrier_id(%barrier3A_83)
    %mul3A_84 = arith.constant 10240 : i32
    %mul3A_85 = arith.muli %arg0, %mul3A_84 : i32
    %add3A_86 = arith.addi %mul3A_85, %mul3A_35 : i32
    "tpu.region"() ({
      %run_scoped3A = tpu.sem_alloc : memref<!tpu.dma_semaphore, #tpu.memory_space<semaphore_mem>>
      %dma_start3A_87 = arith.constant 0 : i32
      %dma_start3A_88 = tpu.memref_slice %arg5[%add3A_86, %dma_start3A_87] : memref<20480x128xf32, #tpu.memory_space<hbm>> -> memref<640x128xf32, #tpu.memory_space<hbm>>
      %dma_start3A_89 = arith.constant 0 : i32
      %dma_start3A_90 = tpu.memref_slice %arg13[%mul3A_35, %dma_start3A_89] : memref<10240x128xf32, #tpu.memory_space<vmem_shared>> -> memref<640x128xf32, #tpu.memory_space<vmem_shared>>
      tpu.enqueue_dma source(%dma_start3A_90 : memref<640x128xf32, #tpu.memory_space<vmem_shared>>) target(%dma_start3A_88 : memref<640x128xf32, #tpu.memory_space<hbm>>) target_semaphore(%run_scoped3A : memref<!tpu.dma_semaphore, #tpu.memory_space<semaphore_mem>>)
      %dma_wait3A_91 = arith.constant 0 : i32
      %dma_wait3A_92 = tpu.memref_slice %arg5[%add3A_86, %dma_wait3A_91] : memref<20480x128xf32, #tpu.memory_space<hbm>> -> memref<640x128xf32, #tpu.memory_space<hbm>>
      %dma_wait3A_93 = arith.constant 0 : i32
      %dma_wait3A_94 = tpu.memref_slice %arg13[%mul3A_35, %dma_wait3A_93] : memref<10240x128xf32, #tpu.memory_space<vmem_shared>> -> memref<640x128xf32, #tpu.memory_space<vmem_shared>>
      tpu.wait_dma2 semaphore(%run_scoped3A : memref<!tpu.dma_semaphore, #tpu.memory_space<semaphore_mem>>) src(%dma_wait3A_94 : memref<640x128xf32, #tpu.memory_space<vmem_shared>>) dst(%dma_wait3A_92 : memref<640x128xf32, #tpu.memory_space<hbm>>)
      tpu.yield
    }) : () -> ()
    return
  }
}

</mosaic_0001>

<sc_bundles>
// kernel: _sc_conv.3.cloned.1.call-start
scs
__scs_entry_jumppad:
0x0: {  	(pc) =	sbr.rel $0x88, $3  }
0x1: {  	(tag) =	ssettag $0x0;
	lr =	simm.s32 $0x1  }
0x2: {  	[smem:$0x3F9E] =	sst lr;
	_ =	strace $0xD0000000  }
0x3: {  	_ = 	snop  }
0x4: {  	_ = 	snop  }
0x5: {  	_ = 	snop  }
0x6: {  	_ = 	snop  }
0x7: {  	_ = 	snop  }
__scs_overlays_trampoline_lowered:
0x8: {  	[smem:$0x3FAD] =	sst s0  }
0x9: {  	[smem:$0x3FAE] =	sst s1  }
0xa: {  	[smem:$0x3FAF] =	sst s2  }
0xb: {  	[smem:$0x3FB0] =	sst s3  }
0xc: {  	[smem:$0x3FB1] =	sst s4  }
0xd: {  	[smem:$0x3FB2] =	sst s5  }
0xe: {  	[smem:$0x3FB3] =	sst s6  }
0xf: {  	[smem:$0x3FB4] =	sst s7  }
0x10: {  	[smem:$0x3FB5] =	sst s8  }
0x11: {  	[smem:$0x3FB6] =	sst s9;
	s0 =	simm.s32 @!p0 $0x0  }
0x12: {  	s1 =	sld [smem:$0x3F9C];
	s0 =	simm.s32 @p0 $0x1  }
0x13: {  	[smem:$0x3FB7] =	sst s0;
	s0 =	simm.s32 @!p1 $0x0  }
0x14: {  	s2 =	sld [smem:$0x3F9B];
	s0 =	simm.s32 @p1 $0x1  }
0x15: {  	[smem:$0x3FB8] =	sst s0;
	s0 =	simm.s32 @!p2 $0x0  }
0x16: {  	s3 =	sld [smem:$0x3FDB];
	s0 =	simm.s32 @p2 $0x1  }
0x17: {  	s4 =	simm.s32 $0x1BF5;
	[smem:$0x3FBA] =	sst s0  }
0x18: {  	s0 =	sld [smem:$0x3F9D];
	_ =	swait.ge [sflag:s4], $0x0  }
0x19: {  	s7 =	sld [smem:$0x3F9E]  }
0x1a: {  	s8 =	sadd.s32 $0xFFFFE003, lr  }
0x1b: {  	s9 =	sadd.s32 $0xFFFFFEF7, lr;
	s5 =	simm.s32 $0xFFFFFFFF;
	p2 =	slt.u32 s8, $0xFFFFF086  }
0x1c: {  	p1 =	slt.u32 s9, $0xF7A;
	s5 =	simm.s32 @!p2 $0x0  }
0x1d: {  	s5 =	simm.s32 @p1 $0x1;
	p0 =	seq.s32 s7, s2  }
0x1e: {  	s7 =	smul.u32 @!p0 $0xF7A, s2;
	p2 =	seq.s32 @!p0 s5, $0x0  }
0x1f: {  	s9 =	smul.u32 $0xF7A, s1;
	s8 =	simm.s32 @!p0 $0x1BF5;
	p2 =	por !p2, p0  }
0x20: {  	[sflag:s8] =	ssyncset.s32 @!p0 $0xFFFFF086;
	s6 =	sadd.s32 @!p0 s3, s7;
	s7 =	simm.s32 @!p0 $0x108  }
0x21: {  	s3 =	sadd.s32 s3, s9;
	s6 =	sadd.s32 @!p0 $0x88, s6;
	s7 =	simm.s32 @p2 $0x1082  }
0x22: {  	[simem:s7], [sflag:s8] =	dma.local @!p0 [hbm:s6], $0xF7A  }
0x23: {  	s9 =	sor.u32 $0xD0000000, s2;
	s6 =	simm.s32 $0x108;
	_ =	swait.ge @!p0 [sflag:s8], $0x0  }
0x24: {  	s3 =	sadd.s32 $0x88, s3;
	s6 =	simm.s32 @!p1 $0x1082;
	[sflag:s4] =	ssyncset.s32 $0xFFFFF086  }
0x25: {  	[simem:s6], [sflag:s4] =	dma.local [hbm:s3], $0xF7A  }
0x26: {  	[smem:$0x3F9E] =	sst s1;
	(tag) =	ssettag s2;
	_ =	strace s9  }
0x27: {  	s1 =	sld [smem:$0x3FAE]  }
0x28: {  	s2 =	sld [smem:$0x3FAF]  }
0x29: {  	s4 =	sld [smem:$0x3FB1]  }
0x2a: {  	p0 =	seq.s32 s5, $0x0;
	s5 =	sld [smem:$0x3FB2]  }
0x2b: {  	s6 =	sld [smem:$0x3FB3]  }
0x2c: {  	s7 =	sld [smem:$0x3FB4]  }
0x2d: {  	s3 =	simm.s32 $0x108;
	s8 =	sld [smem:$0x3FB5]  }
0x2e: {  	s3 =	simm.s32 @!p0 $0x1082;
	s9 =	sld [smem:$0x3FB6]  }
0x2f: {  	lr =	sadd.s32 s0, s3;
	s0 =	sld [smem:$0x3FAD]  }
0x30: {  	s3 =	sld [smem:$0x3FB0]  }
0x31: {  	[smem:$0x3FB9] =	sst s10  }
0x32: {  	s10 =	sld [smem:$0x3FB7];
	_ =	sdelay $0x3  }
0x33: {  	p0 =	seq.s32 s10, $0x1;
	s10 =	sld [smem:$0x3FB9];
	_ =	sdelay $0x3  }
0x34: {  	[smem:$0x3FB9] =	sst s10  }
0x35: {  	s10 =	sld [smem:$0x3FB8];
	_ =	sdelay $0x3  }
0x36: {  	p1 =	seq.s32 s10, $0x1;
	s10 =	sld [smem:$0x3FB9];
	_ =	sdelay $0x3  }
0x37: {  	[smem:$0x3FB9] =	sst s10  }
0x38: {  	s10 =	sld [smem:$0x3FBA]  }
0x39: {  	_ = 	snop;
	(pc) =	sbr.ind lr, $3  }
0x3a: {  	_ = 	snop  }
0x3b: {  	_ = 	snop  }
0x3c: {  	p2 =	seq.s32 s10, $0x1;
	s10 =	sld [smem:$0x3FB9]  }
0x3d: {  	_ =	shalt  }
0x3e: {  	_ =	shalt  }
0x3f: {  	_ =	shalt  }
0x40: {  	_ =	shalt  }
0x41: {  	_ =	shalt  }
0x42: {  	_ =	shalt  }
0x43: {  	_ =	shalt  }
0x44: {  	_ =	shalt  }
0x45: {  	_ =	shalt  }
0x46: {  	_ =	shalt  }
0x47: {  	_ =	shalt  }
0x48: {  	_ =	shalt  }
0x49: {  	_ =	shalt  }
0x4a: {  	_ =	shalt  }
0x4b: {  	_ =	shalt  }
0x4c: {  	_ =	shalt  }
0x4d: {  	_ =	shalt  }
0x4e: {  	_ =	shalt  }
0x4f: {  	_ =	shalt  }
0x50: {  	_ =	shalt  }
0x51: {  	_ =	shalt  }
0x52: {  	_ =	shalt  }
0x53: {  	_ =	shalt  }
0x54: {  	_ =	shalt  }
0x55: {  	_ =	shalt  }
0x56: {  	_ =	shalt  }
0x57: {  	_ =	shalt  }
0x58: {  	_ =	shalt  }
0x59: {  	_ =	shalt  }
0x5a: {  	_ =	shalt  }
0x5b: {  	_ =	shalt  }
0x5c: {  	_ =	shalt  }
0x5d: {  	_ =	shalt  }
0x5e: {  	_ =	shalt  }
0x5f: {  	_ =	shalt  }
0x60: {  	_ =	shalt  }
0x61: {  	_ =	shalt  }
0x62: {  	_ =	shalt  }
0x63: {  	_ =	shalt  }
0x64: {  	_ =	shalt  }
0x65: {  	_ =	shalt  }
0x66: {  	_ =	shalt  }
0x67: {  	_ =	shalt  }
0x68: {  	_ =	shalt  }
0x69: {  	_ =	shalt  }
0x6a: {  	_ =	shalt  }
0x6b: {  	_ =	shalt  }
0x6c: {  	_ =	shalt  }
0x6d: {  	_ =	shalt  }
0x6e: {  	_ =	shalt  }
0x6f: {  	_ =	shalt  }
0x70: {  	_ =	shalt  }
0x71: {  	_ =	shalt  }
0x72: {  	_ =	shalt  }
0x73: {  	_ =	shalt  }
0x74: {  	_ =	shalt  }
0x75: {  	_ =	shalt  }
0x76: {  	_ =	shalt  }
0x77: {  	_ =	shalt  }
0x78: {  	_ =	shalt  }
0x79: {  	_ =	shalt  }
0x7a: {  	_ =	shalt  }
0x7b: {  	_ =	shalt  }
0x7c: {  	_ =	shalt  }
0x7d: {  	_ =	shalt  }
0x7e: {  	_ =	shalt  }
0x7f: {  	_ =	shalt  }
0x80: {  	_ =	shalt  }
0x81: {  	_ =	shalt  }
0x82: {  	_ =	shalt  }
0x83: {  	_ =	shalt  }
0x84: {  	_ =	shalt  }
0x85: {  	_ =	shalt  }
0x86: {  	_ =	shalt  }
0x87: {  	_ =	shalt  }
.Lfunc_end0:
.L_simem_size_0:
called_computation_lowered:
.L_overlay_start_0:
0x88: {  	s2 =	sld [smem:$0x3FD9]  }
0x89: {  	s3 =	sld [smem:$0x3FFE];
	_ =	sdelay $0x1  }
0x8a: {  	s1 =	srdreg.scid  }
0x8b: {  	s0 =	sand.u32 $0x1, s1  }
0x8c: {  	s18 =	sshll.u32 s0, $0xA;
	s2 =	sadd.s32 s3, s2  }
0x8d: {  	s2 =	sadd.s32 s2, s18  }
0x8e: {  	[smem:$0x3FC5] =	sst s2  }
0x8f: {  	_ = 	snop  }
0x90: {  	s2 =	sld [smem:$0x3FC9]  }
0x91: {  	s19 =	sld [smem:$0x3FC8]  }
0x92: {  	s4 =	sld [smem:$0x3FC7]  }
0x93: {  	s5 =	sld [smem:$0x3FD0];
	(tm) =	ssettm $0x1  }
0x94: {  	s6 =	sld [smem:$0x3FFB];
	_ =	sdelay $0x3  }
0x95: {  	_ =	strace s6  }
0x96: {  	s6 =	sld [smem:$0x3FFC];
	_ =	sdelay $0x3  }
0x97: {  	_ =	strace s6  }
0x98: {  	s6 =	sld [smem:$0x3FFD];
	_ =	sdelay $0x3  }
0x99: {  	_ =	strace s6  }
0x9a: {  	_ =	strace $0x8FFFFFFF  }
0x9b: {  	s20 =	sld [smem:$0x3FDB];
	_ =	sdelay $0x1  }
0x9c: {  	s7 =	simm.s32 $_scs_section_size  }
0x9d: {  	s8 =	simm.s32 $_size__tile_overlayer_lowered;
	s9 =	simm.s32 $_tile_overlayer_lowered  }
0x9e: {  	s23 =	simm.s32 $0x1BFF;
	s22 =	sshll.u32 s9, $0x1;
	s6 =	sadd.s32 s7, s20  }
0x9f: {  	s10 =	simm.s32 $0x0;
	s21 =	sshll.u32 s8, $0x1;
	s8 =	sadd.s32 s22, s6  }
0xa0: {  	[timem:s10], [sflag:s23] =	dma.local [hbm:s8], s21  }
0xa1: {  	_ =	swait.ge [sflag:s23], s21  }
0xa2: {  	s7 =	ssub.s32 $0x0, s21;
	[sflag:s23] =	ssyncset.done $0x0  }
0xa3: {  	[sflag:s23] =	ssyncadd.s32 s7;
	_ =	sdelay $0x1  }
0xa4: {  	s24 =	simm.s32 $0x1B8B  }
0xa5: {  	_ =	swait.ge [sflag:s24], $0x1  }
0xa6: {  	[sflag:s24] =	ssyncset.done $0x0  }
0xa7: {  	s25 =	simm.s32 $0x1B8E;
	[sflag:s24] =	ssyncadd.s32 $0xFFFFFFFF  }
0xa8: {  	s26 =	simm.s32 $execute0_lowered;
	[smem:$0x3FD2] =	sst s25  }
0xa9: {  	s7 =	sshll.u32 s26, $0x1;
	_ =	strace $0x80000046;
	[dreg:$0x1] =	wrdreg $0xFFFFFFFF  }
0xaa: {  	s28 =	simm.s32 $_size_execute0_lowered;
	s6 =	sadd.s32 s6, s7;
	[dreg:$0x0] =	wrdreg $0x0  }
0xab: {  	s7 =	sshll.u32 s28, $0x1;
	[dreg:$0x2] =	wrdreg s6  }
0xac: {  	[dreg:$0x3] =	wrdreg s7  }
0xad: {  	[dreg:$0x4] =	wrdreg $0xC0  }
0xae: {  	_ =	task [dreg:s10], $0x5FFFF  }
0xaf: {  	[dreg:$0x1] =	wrdreg $0xFFFFFFFF  }
0xb0: {  	[dreg:$0x0] =	wrdreg $0x60  }
0xb1: {  	[dreg:$0x2] =	wrdreg s2  }
0xb2: {  	[dreg:$0x3] =	wrdreg s19  }
0xb3: {  	[dreg:$0x4] =	wrdreg s4  }
0xb4: {  	[dreg:$0x5] =	wrdreg s5  }
0xb5: {  	[dreg:$0x6] =	wrdreg $0xA2000  }
0xb6: {  	[dreg:$0x7] =	wrdreg $0x9  }
0xb7: {  	_ =	task.clear_ibuf [dreg:s10], $0x8FFFF;
	_ =	strace $0x90000046  }
0xb8: {  	s29 =	simm.s32 $0x9;
	_ =	strace $0x80000048  }
0xb9: {  	_ =	swait.ge [sflag:s29], $0x1  }
0xba: {  	[sflag:s29] =	ssyncadd.s32 $0xFFFFFFFF  }
0xbb: {  	_ =	strace $0x90000048  }
0xbc: {  	_ =	sfence  }
0xbd: {  	s30 =	sld [smem:$0x0];
	_ =	sdelay $0x2  }
0xbe: {  	s31 =	sshll.u32 s1, $0xD;
	s1 =	sshrl.u32 s1, $0x2  }
0xbf: {  	s3 =	sand.u32 $0x4000, s31;
	s1 =	sadd.s32 s1, s30  }
0xc0: {  	s0 =	sor.u32 s3, s0;
	s1 =	sshll.u32 s1, $0x11  }
0xc1: {  	s0 =	sor.u32 s1, s0  }
0xc2: {  	s0 =	sadd.s32 $0x8F2B, s0  }
0xc3: {  	[sflag:s0] =	ssyncadd.remote.s32 $0x1  }
0xc4: {  	_ =	sfence.sel $0xFFFF  }
0xc5: {  	[dreg:$0x0] =	wrdreg $0xFFFFFFFF;
	(pc) =	sbr.abs _section_cstart, $3  }
0xc6: {  	[dreg:$0x1] =	wrdreg $0xFFFFFFFF  }
0xc7: {  	_ =	task.clear_ibuf [dreg:s10], $0x2FFFF;
	_ =	strace $0x9FFFFFFF  }
0xc8: {  	(tm) =	ssettm $0x7FFFFFFF  }
0xc9: {  	_ =	shalt  }
tec
execute0_lowered:
.L_overlay_start_1:
0x0: {  	(tag) =	ssettag $0x1  }
0x1: {  	s1 =	rddreg [dreg:$0x0]  }
0x2: {  	s0 =	rddreg [dreg:$0x1]  }
0x3: {  	s2 =	rddreg [dreg:$0x2]  }
0x4: {  	s5 =	rddreg [dreg:$0x3]  }
0x5: {  	s3 =	rddreg [dreg:$0x4];
	s12 =	stileid.u32  }
0x6: {  	s4 =	simm.s32 $0x0;
	s6 =	srdreg.scid;
	s7 =	smul.u32 $0xE, s12  }
0x7: {  	s28 =	simm.s32 $0x80;
	s29 =	simm.s32 $0x180;
	s8 =	smul.u32 $0x92, s12  }
0x8: {  	s30 =	simm.s32 $0x3;
	s31 =	simm.s32 $0x200;
	s11 =	smul.u32 $0x50000, s12  }
0x9: {  	[smem:$0x7FF] =	sst s4;
	s6 =	sand.u32 $0x1, s6;
	s12 =	smul.u32 $0x2800, s12  }
0xa: {  	s9 =	ssub.s32 $0x2, s6;
	p0 =	seq.s32 s6, $0x0;
	_ =	strace $0x80000047  }
0xb: {  	s22 =	smul.u32 $0x28000, s6;
	s10 =	sshrl.u32 s9, $0x1;
	s26 =	sshrl.u32 s11, $0x2  }
0xc: {  	s10 =	ssub.s32 s9, s10;
	s9 =	sadd.s32 s26, s3;
	s26 =	simm.s32 $0x4200  }
0xd: {  	s7 =	sadd.s32 $0x920, s7;
	s15 =	sadd.s32 $0x2000, s9;
	[dreg:$0x6] =	wrdreg s26  }
0xe: {  	s7 =	smov.u32 @p0 s8;
	s16 =	sadd.s32 $0x4000, s9;
	[dreg:$0x9] =	wrdreg s15  }
0xf: {  	s8 =	simm.s32 $0x92;
	s17 =	sadd.s32 $0x6000, s9;
	[dreg:$0xa] =	wrdreg s16  }
0x10: {  	s7 =	sshll.u32 s7, $0x4;
	s18 =	sadd.s32 $0x8000, s9;
	[dreg:$0xb] =	wrdreg s17  }
0x11: {  	s8 =	simm.s32 @!p0 $0xE;
	s19 =	sadd.s32 $0xA000, s9;
	[dreg:$0xc] =	wrdreg s18  }
0x12: {  	s20 =	sadd.s32 $0xC000, s9;
	s21 =	sadd.s32 $0xE000, s9;
	[dreg:$0xd] =	wrdreg s19  }
0x13: {  	s23 =	sadd.s32 $0x10000, s9;
	s24 =	sadd.s32 $0x12000, s9;
	[dreg:$0xe] =	wrdreg s20  }
0x14: {  	s26 =	simm.s32 $0x100;
	s13 =	sadd.s32 s0, s7;
	[dreg:$0xf] =	wrdreg s21  }
0x15: {  	s14 =	sadd.s32 s2, s7;
	s7 =	sor.u32 $0x10, s7;
	[dreg:$0x10] =	wrdreg s23  }
0x16: {  	[dreg:$0x11] =	wrdreg s24;
	s25 =	sshrl.u32 s8, $0x1;
	s20 =	sadd.s32 $0xFFFFFFFF, s8  }
0x17: {  	s21 =	sadd.s32 $0xFFFFFFFE, s8;
	s23 =	smax.u32 s10, $0x1;
	s8 =	simm.s32 $0x5  }
0x18: {  	s10 =	simm.s32 $0x2;
	s0 =	sadd.s32 s0, s7;
	s11 =	sadd.s32 s2, s7  }
0x19: {  	[dreg:$0x12] =	wrdreg s25;
	s15 =	sadd.s32 $0x30, s14;
	s19 =	smov.u32 s13  }
0x1a: {  	s25 =	sadd.s32 $0x30, s13;
	s2 =	simm.s32 $0x7;
	[dreg:$0x7] =	wrdreg s0  }
0x1b: {  	s7 =	simm.s32 $0x1;
	[dreg:$0x8] =	wrdreg s11;
	s0 =	sadd.s32 s12, s22  }
0x1c: {  	s22 =	smov.u32 s14;
	s11 =	simm.s32 $0x6;
	s0 =	sadd.s32 s5, s0  }
0x1d: {  	v0 =	vimm.f32 $0.0e+00;
	s5 =	simm.s32 $0x0;
	[dreg:$0x13] =	wrdreg s0;
	s0 =	simm.s32 $0x8200  }
.LBB2_1:
0x1e: {  	[tilespmem:s4], [sflag:$0x3] =	stream.linear.gather [hbm4b:s19+s4], $0x80, $0x38;
	[tilespmem:$0x1E200] =	vst v63  }
0x1f: {  	_ = 	snop  }
0x20: {  	[tilespmem:s26], [sflag:$0x5] =	stream.linear.gather [hbm4b:s22+s4], $0x80, $0x38;
	[tilespmem:$0x1E200] =	vst v63  }
0x21: {  	s6 =	rddreg [dreg:$0x7]  }
0x22: {  	[tilespmem:s28], [sflag:$0x4] =	stream.linear.gather [hbm4b:s6+s4], $0x80, $0x38;
	[tilespmem:$0x1E200] =	vst v63  }
0x23: {  	s24 =	rddreg [dreg:$0x8]  }
0x24: {  	[tilespmem:s29], [sflag:$0x6] =	stream.linear.gather [hbm4b:s24+s4], $0x80, $0x38;
	[tilespmem:$0x1E200] =	vst v63  }
0x25: {  	_ =	swait.ge [sflag:s30], $0x80  }
0x26: {  	[sflag:s30] =	ssyncset.done $0x0  }
0x27: {  	s12 =	simm.s32 $0x200;
	s6 =	simm.s32 $0x0;
	[sflag:s30] =	ssyncadd.s32 $0xFFFFFF80  }
0x28: {  	[tilespmem:s31], [sflag:$0x1] =	stream.indirect.gather [hbm4b:s1+s28], $0x80, s4, s28, $0xb8;
	[tilespmem:$0x1E200] =	vst v63  }
.LBB2_2:
0x29: {  	p0 =	sne.s32 s12, $0x7E00;
	[tilespmem:s6+$0x8270] =	vst v0  }
0x2a: {  	[tilespmem:s6+$0x8200] =	vst v0  }
0x2b: {  	[tilespmem:s6+$0x8210] =	vst v0  }
.Ltmp0:
0x2c: {  	[tilespmem:s6+$0x8220] =	vst v0;
	(pc) =	sbr.rel @p0 .LBB2_2-.Ltmp0, $4  }
0x2d: {  	[tilespmem:s6+$0x8230] =	vst v0  }
0x2e: {  	[tilespmem:s6+$0x8240] =	vst v0  }
0x2f: {  	[tilespmem:s6+$0x8250] =	vst v0  }
0x30: {  	[tilespmem:s6+$0x8260] =	vst v0;
	s6 =	sshra.s32 s12, $0x2;
	s12 =	sadd.s32 $0x200, s12  }
0x31: {  	[tilespmem:s6+$0x8270] =	vst v0  }
0x32: {  	[tilespmem:s6+$0x8200] =	vst v0  }
0x33: {  	[tilespmem:s6+$0x8210] =	vst v0  }
0x34: {  	[tilespmem:s6+$0x8220] =	vst v0  }
0x35: {  	[tilespmem:s6+$0x8230] =	vst v0  }
0x36: {  	[tilespmem:s6+$0x8240] =	vst v0  }
0x37: {  	[tilespmem:s6+$0x8250] =	vst v0  }
0x38: {  	[tilespmem:s6+$0x8260] =	vst v0  }
0x39: {  	[spmem:s9] =	stream.linear.scatter [tilespmem:s0], [sflag:$0x7], $0x2000, $0x38;
	[tilespmem:$0x1E200] =	vst v63  }
0x3a: {  	_ =	swait.ge [sflag:s2], $0x2000  }
0x3b: {  	[sflag:s2] =	ssyncset.done $0x0  }
0x3c: {  	s16 =	rddreg [dreg:$0x9];
	[sflag:s2] =	ssyncadd.s32 $0xFFFFE000  }
0x3d: {  	[spmem:s16] =	stream.linear.scatter [tilespmem:s0], [sflag:$0x7], $0x2000, $0x38;
	[tilespmem:$0x1E200] =	vst v63  }
0x3e: {  	_ =	swait.ge [sflag:s2], $0x2000  }
0x3f: {  	[sflag:s2] =	ssyncset.done $0x0  }
0x40: {  	s17 =	rddreg [dreg:$0xa];
	[sflag:s2] =	ssyncadd.s32 $0xFFFFE000  }
0x41: {  	[spmem:s17] =	stream.linear.scatter [tilespmem:s0], [sflag:$0x7], $0x2000, $0x38;
	[tilespmem:$0x1E200] =	vst v63  }
0x42: {  	_ =	swait.ge [sflag:s2], $0x2000  }
0x43: {  	[sflag:s2] =	ssyncset.done $0x0  }
0x44: {  	s18 =	rddreg [dreg:$0xb];
	[sflag:s2] =	ssyncadd.s32 $0xFFFFE000  }
0x45: {  	[spmem:s18] =	stream.linear.scatter [tilespmem:s0], [sflag:$0x7], $0x2000, $0x38;
	[tilespmem:$0x1E200] =	vst v63  }
0x46: {  	_ =	swait.ge [sflag:s2], $0x2000  }
0x47: {  	[sflag:s2] =	ssyncset.done $0x0  }
0x48: {  	s24 =	rddreg [dreg:$0xc];
	[sflag:s2] =	ssyncadd.s32 $0xFFFFE000  }
0x49: {  	[spmem:s24] =	stream.linear.scatter [tilespmem:s0], [sflag:$0x7], $0x2000, $0x38;
	[tilespmem:$0x1E200] =	vst v63  }
0x4a: {  	_ =	swait.ge [sflag:s2], $0x2000  }
0x4b: {  	[sflag:s2] =	ssyncset.done $0x0  }
0x4c: {  	s12 =	rddreg [dreg:$0xd];
	[sflag:s2] =	ssyncadd.s32 $0xFFFFE000  }
0x4d: {  	[spmem:s12] =	stream.linear.scatter [tilespmem:s0], [sflag:$0x7], $0x2000, $0x38;
	[tilespmem:$0x1E200] =	vst v63  }
0x4e: {  	_ =	swait.ge [sflag:s2], $0x2000  }
0x4f: {  	[sflag:s2] =	ssyncset.done $0x0  }
0x50: {  	s13 =	rddreg [dreg:$0xe];
	[sflag:s2] =	ssyncadd.s32 $0xFFFFE000  }
0x51: {  	[spmem:s13] =	stream.linear.scatter [tilespmem:s0], [sflag:$0x7], $0x2000, $0x38;
	[tilespmem:$0x1E200] =	vst v63  }
0x52: {  	_ =	swait.ge [sflag:s2], $0x2000  }
0x53: {  	[sflag:s2] =	ssyncset.done $0x0  }
0x54: {  	s14 =	rddreg [dreg:$0xf];
	[sflag:s2] =	ssyncadd.s32 $0xFFFFE000  }
0x55: {  	[spmem:s14] =	stream.linear.scatter [tilespmem:s0], [sflag:$0x7], $0x2000, $0x38;
	[tilespmem:$0x1E200] =	vst v63  }
0x56: {  	_ =	swait.ge [sflag:s2], $0x2000  }
0x57: {  	[sflag:s2] =	ssyncset.done $0x0  }
0x58: {  	s16 =	rddreg [dreg:$0x10];
	[sflag:s2] =	ssyncadd.s32 $0xFFFFE000  }
0x59: {  	[spmem:s16] =	stream.linear.scatter [tilespmem:s0], [sflag:$0x7], $0x2000, $0x38;
	[tilespmem:$0x1E200] =	vst v63  }
0x5a: {  	_ =	swait.ge [sflag:s2], $0x2000  }
0x5b: {  	[sflag:s2] =	ssyncset.done $0x0  }
0x5c: {  	s17 =	rddreg [dreg:$0x11];
	[sflag:s2] =	ssyncadd.s32 $0xFFFFE000  }
0x5d: {  	[spmem:s17] =	stream.linear.scatter [tilespmem:s0], [sflag:$0x7], $0x2000, $0x38;
	[tilespmem:$0x1E200] =	vst v63  }
0x5e: {  	_ =	swait.ge [sflag:s2], $0x2000  }
0x5f: {  	[sflag:s2] =	ssyncset.done $0x0  }
0x60: {  	[sflag:s2] =	ssyncadd.s32 $0xFFFFE000  }
0x61: {  	[bflag:$0x0] =	sbarrier.arrive $0xFFFF  }
0x62: {  	_ =	swait.ge [sflag:s7], $0x4000  }
0x63: {  	p0 =	sle.u32 s20, $0x0;
	[sflag:s7] =	ssyncset.done $0x0  }
0x64: {  	s6 =	simm.s32 @!p0 $0x4;
	[sflag:s7] =	ssyncadd.s32 $0xFFFFC000  }
0x65: {  	_ =	swait.ge @!p0 [sflag:s6], $0x80  }
0x66: {  	[sflag:s6] =	ssyncset.done @!p0 $0x0  }
0x67: {  	s12 =	simm.s32 @!p0 $0x4200;
	[sflag:s6] =	ssyncadd.s32 @!p0 $0xFFFFFF80;
	s6 =	simm.s32 @!p0 $0x80  }
0x68: {  	[tilespmem:s12], [sflag:$0x2] =	stream.indirect.gather @!p0 [hbm4b:s1+s6], $0x80, s6, s6, $0xb8;
	[tilespmem:$0x1E200] =	vst v63  }
0x69: {  	_ =	swait.ge [sflag:s8], $0x80  }
0x6a: {  	[sflag:s8] =	ssyncset.done $0x0  }
0x6b: {  	[sflag:s8] =	ssyncadd.s32 $0xFFFFFF80  }
0x6c: {  	[spmem:s3] =	stream.indirect.scatter.add.f32 [tilespmem:s31], [sflag:$0x7], $0x80, s26, s28, $0xb8;
	[tilespmem:$0x1E200] =	vst v63  }
0x6d: {  	_ =	swait.ge [sflag:s2], $0x4000  }
0x6e: {  	p0 =	sle.u32 s21, $0x0;
	[sflag:s2] =	ssyncset.done $0x0  }
0x6f: {  	s6 =	sadd.s32 @!p0 $0xFFFFFFF0, s25;
	s12 =	simm.s32 @!p0 $0x0;
	[sflag:s2] =	ssyncadd.s32 $0xFFFFC000  }
0x70: {  	[tilespmem:s12], [sflag:$0x3] =	stream.linear.gather @!p0 [hbm4b:s6+s12], $0x80, $0x38;
	[tilespmem:$0x1E200] =	vst v63  }
0x71: {  	s13 =	simm.s32 @!p0 $0x100;
	s6 =	sadd.s32 @!p0 $0xFFFFFFF0, s15  }
0x72: {  	[tilespmem:s13], [sflag:$0x5] =	stream.linear.gather @!p0 [hbm4b:s6+s12], $0x80, $0x38;
	[tilespmem:$0x1E200] =	vst v63  }
0x73: {  	_ =	swait.ge [sflag:s10], $0x4000  }
0x74: {  	p0 =	sle.u32 s20, $0x1;
	[sflag:s10] =	ssyncset.done $0x0  }
0x75: {  	s6 =	simm.s32 @!p0 $0x3;
	[sflag:s10] =	ssyncadd.s32 $0xFFFFC000  }
0x76: {  	_ =	swait.ge @!p0 [sflag:s6], $0x80  }
0x77: {  	s12 =	simm.s32 @!p0 $0x200;
	[sflag:s6] =	ssyncset.done @!p0 $0x0  }
0x78: {  	s13 =	simm.s32 @!p0 $0x0;
	[sflag:s6] =	ssyncadd.s32 @!p0 $0xFFFFFF80;
	s6 =	simm.s32 @!p0 $0x80  }
0x79: {  	[tilespmem:s12], [sflag:$0x1] =	stream.indirect.gather @!p0 [hbm4b:s1+s6], $0x80, s13, s6, $0xb8;
	[tilespmem:$0x1E200] =	vst v63  }
0x7a: {  	_ =	swait.ge [sflag:s11], $0x80  }
0x7b: {  	[sflag:s11] =	ssyncset.done $0x0  }
0x7c: {  	s18 =	rddreg [dreg:$0x6];
	[sflag:s11] =	ssyncadd.s32 $0xFFFFFF80  }
0x7d: {  	[spmem:s3] =	stream.indirect.scatter.add.f32 [tilespmem:s18], [sflag:$0x7], $0x80, s29, s28, $0xb8;
	[tilespmem:$0x1E200] =	vst v63  }
0x7e: {  	_ =	swait.ge [sflag:s2], $0x4000  }
0x7f: {  	s24 =	rddreg [dreg:$0x12]  }
0x80: {  	s12 =	sadd.s32 $0xFFFFFFFF, s24  }
0x81: {  	p0 =	sne.s32 s12, $0x0  }
.Ltmp1:
0x82: {  	p1 =	sle.u32 s21, $0x1;
	(pc) =	sbr.rel @!p0 .LBB2_5-.Ltmp1, $4  }
0x83: {  	s14 =	sadd.s32 $0x20, s25;
	s16 =	simm.s32 @!p1 $0x0;
	[sflag:s2] =	ssyncset.done $0x0  }
0x84: {  	s17 =	simm.s32 @!p1 $0x180;
	s6 =	simm.s32 @!p1 $0x80;
	[sflag:s2] =	ssyncadd.s32 $0xFFFFC000  }
0x85: {  	[tilespmem:s6], [sflag:$0x4] =	stream.linear.gather @!p1 [hbm4b:s25+s16], $0x80, $0x38;
	[tilespmem:$0x1E200] =	vst v63  }
0x86: {  	s13 =	sadd.s32 $0x20, s15;
	s24 =	smov.u32 s15;
	s6 =	simm.s32 $0x3  }
.LBB2_4:
0x87: {  	[tilespmem:s17], [sflag:$0x6] =	stream.linear.gather @!p1 [hbm4b:s24+s16], $0x80, $0x38;
	[tilespmem:$0x1E200] =	vst v63  }
0x88: {  	s16 =	sadd.s32 $0xFFFFFFFF, s6;
	_ =	swait.ge [sflag:s7], $0x4000  }
0x89: {  	p1 =	sge.u32 s16, s20;
	[sflag:s7] =	ssyncset.done $0x0  }
0x8a: {  	s17 =	simm.s32 @!p1 $0x4;
	[sflag:s7] =	ssyncadd.s32 $0xFFFFC000  }
0x8b: {  	_ =	swait.ge @!p1 [sflag:s17], $0x80  }
0x8c: {  	[sflag:s17] =	ssyncset.done @!p1 $0x0  }
0x8d: {  	s18 =	simm.s32 @!p1 $0x4200;
	[sflag:s17] =	ssyncadd.s32 @!p1 $0xFFFFFF80;
	s17 =	simm.s32 @!p1 $0x80  }
0x8e: {  	[tilespmem:s18], [sflag:$0x2] =	stream.indirect.gather @!p1 [hbm4b:s1+s17], $0x80, s17, s17, $0xb8;
	[tilespmem:$0x1E200] =	vst v63  }
0x8f: {  	_ =	swait.ge [sflag:s8], $0x80  }
0x90: {  	[sflag:s8] =	ssyncset.done $0x0  }
0x91: {  	[sflag:s8] =	ssyncadd.s32 $0xFFFFFF80  }
0x92: {  	[spmem:s3] =	stream.indirect.scatter.add.f32 [tilespmem:s31], [sflag:$0x7], $0x80, s26, s28, $0xb8;
	[tilespmem:$0x1E200] =	vst v63  }
0x93: {  	_ =	swait.ge [sflag:s2], $0x4000  }
0x94: {  	p1 =	sge.u32 s16, s21;
	[sflag:s2] =	ssyncset.done $0x0  }
0x95: {  	s16 =	sadd.s32 @!p1 $0xFFFFFFF0, s14;
	s17 =	simm.s32 @!p1 $0x0;
	[sflag:s2] =	ssyncadd.s32 $0xFFFFC000  }
0x96: {  	[tilespmem:s17], [sflag:$0x3] =	stream.linear.gather @!p1 [hbm4b:s16+s17], $0x80, $0x38;
	[tilespmem:$0x1E200] =	vst v63  }
0x97: {  	s18 =	simm.s32 @!p1 $0x100;
	s16 =	sadd.s32 @!p1 $0xFFFFFFF0, s13  }
0x98: {  	[tilespmem:s18], [sflag:$0x5] =	stream.linear.gather @!p1 [hbm4b:s16+s17], $0x80, $0x38;
	[tilespmem:$0x1E200] =	vst v63  }
0x99: {  	_ =	swait.ge [sflag:s10], $0x4000  }
0x9a: {  	p1 =	sge.u32 s6, s20;
	[sflag:s10] =	ssyncset.done $0x0  }
0x9b: {  	s16 =	simm.s32 @!p1 $0x3;
	[sflag:s10] =	ssyncadd.s32 $0xFFFFC000  }
0x9c: {  	_ =	swait.ge @!p1 [sflag:s16], $0x80  }
0x9d: {  	s17 =	simm.s32 @!p1 $0x200;
	[sflag:s16] =	ssyncset.done @!p1 $0x0  }
0x9e: {  	s18 =	simm.s32 @!p1 $0x0;
	[sflag:s16] =	ssyncadd.s32 @!p1 $0xFFFFFF80;
	s16 =	simm.s32 @!p1 $0x80  }
0x9f: {  	[tilespmem:s17], [sflag:$0x1] =	stream.indirect.gather @!p1 [hbm4b:s1+s16], $0x80, s18, s16, $0xb8;
	[tilespmem:$0x1E200] =	vst v63  }
0xa0: {  	_ =	swait.ge [sflag:s11], $0x80  }
0xa1: {  	s12 =	sadd.s32 $0xFFFFFFFF, s12;
	[sflag:s11] =	ssyncset.done $0x0  }
0xa2: {  	p0 =	sne.s32 s12, $0x0;
	s18 =	rddreg [dreg:$0x6];
	[sflag:s11] =	ssyncadd.s32 $0xFFFFFF80  }
0xa3: {  	[spmem:s3] =	stream.indirect.scatter.add.f32 [tilespmem:s18], [sflag:$0x7], $0x80, s29, s28, $0xb8;
	[tilespmem:$0x1E200] =	vst v63  }
.Ltmp2:
0xa4: {  	s24 =	smov.u32 s13;
	_ =	swait.ge [sflag:s2], $0x4000;
	(pc) =	sbr.rel @p0 .LBB2_4-.Ltmp2, $4  }
0xa5: {  	s13 =	sadd.s32 $0x20, s13;
	p1 =	sge.u32 s6, s21;
	[sflag:s2] =	ssyncset.done $0x0  }
0xa6: {  	s16 =	simm.s32 @!p1 $0x0;
	s17 =	simm.s32 @!p1 $0x80;
	[sflag:s2] =	ssyncadd.s32 $0xFFFFC000  }
0xa7: {  	[tilespmem:s17], [sflag:$0x4] =	stream.linear.gather @!p1 [hbm4b:s14+s16], $0x80, $0x38;
	[tilespmem:$0x1E200] =	vst v63  }
0xa8: {  	s6 =	sadd.s32 $0x2, s6;
	s17 =	simm.s32 @!p1 $0x180;
	s14 =	sadd.s32 $0x20, s14  }
.LBB2_5:
0xa9: {  	[tilespmem:s17], [sflag:$0x6] =	stream.linear.gather @!p1 [hbm4b:s24+s16], $0x80, $0x38;
	[tilespmem:$0x1E200] =	vst v63  }
0xaa: {  	s6 =	stileid.u32;
	s12 =	sshrl.u32 s9, $0x3;
	s5 =	sadd.s32 $0x1, s5  }
0xab: {  	s6 =	sshll.u32 s6, $0x6;
	[bflag:$0x0] =	sbarrier.arrive $0xFFFF;
	p0 =	sne.s32 s5, s23  }
.Ltmp3:
0xac: {  	s6 =	sor.u32 $0x1C07, s6;
	s13 =	rddreg [dreg:$0x13];
	(pc) =	sbr.rel @p0 .LBB2_1-.Ltmp3, $4  }
0xad: {  	[hbm:s13], [sflag:s6] =	dma.local [spmem:s12], $0x2800  }
0xae: {  	_ =	swait.ge [sflag:s2], $0x2800  }
0xaf: {  	[sflag:s2] =	ssyncset.done $0x0  }
0xb0: {  	[sflag:s2] =	ssyncadd.s32 $0xFFFFD800  }
0xb1: {  	_ =	sfence.sel $0x180000  }
0xb2: {  	[bflag:$0x0] =	sbarrier.arrive $0xFFFF  }
0xb3: {  	_ =	strace $0x90000047  }
0xb4: {  	s0 =	stileid.u32;
	[bflag:$0x2] =	sbarrier.arrive $0xFFFF  }
0xb5: {  	p0 =	sne.s32 s0, $0x0;
	s0 =	rddreg [dreg:$0x5]  }
0xb6: {  	s0 =	sadd.s32 @!p0 $0x100000, s0  }
0xb7: {  	[sflag:s0] =	ssyncadd.tile.s32 @!p0 $0x1;
	_ =	shalt  }
.Lfunc_end2:
_tile_overlayer_lowered:
.L_overlay_start_2:
0xb8: {  	(tag) =	ssettag $0x2  }
0xb9: {  	s0 =	rddreg [dreg:$0x0];
	s2 =	stileid.u32  }
0xba: {  	s1 =	rddreg [dreg:$0x1];
	p0 =	sne.s32 s2, $0x0  }
0xbb: {  	s3 =	rddreg [dreg:$0x2];
	[bflag:$0x3] =	sbarrier.arrive $0xFFFF;
	s2 =	simm.s32 @!p0 $0x1C07  }
0xbc: {  	[timem:s3], [sflag:s2] =	dma.local @!p0 [hbm:s0], s1  }
0xbd: {  	s0 =	simm.s32 @!p0 $0x7  }
0xbe: {  	_ =	swait.ge @!p0 [sflag:s0], s1  }
0xbf: {  	s1 =	ssub.s32 @!p0 $0x0, s1;
	[sflag:s0] =	ssyncset.done @!p0 $0x0  }
0xc0: {  	[sflag:s0] =	ssyncadd.s32 @!p0 s1  }
0xc1: {  	[bflag:$0x3] =	sbarrier.arrive $0xFFFF  }
0xc2: {  	_ =	shalt  }

</sc_bundles>
